<compile_context>
chip_gen: v7x
topology: tpu7x:2x2x1
jax: 0.10.2.dev20260603
libtpu: 0.0.44.dev20260713+nightly
codegen_flags: <defaults>
</compile_context>

<pallas_src>
import jax
import jax.numpy as jnp
from jax import lax
from jax.experimental import pallas as pl
from jax.experimental.pallas import tpu as pltpu
from jax.experimental.pallas import tpu_sc as plsc

NUM_FEATURES = 7
NUM_BINS = 10
EMB_DIM = 18
BATCH = 16384
NUM_INNER = NUM_BINS - 1
OUT_PITCH = 128

NC = 2
NS = 16
NW = NC * NS
LANES = 16

ROWS_PER_W = BATCH // NW
OUT_PER_W = ROWS_PER_W * OUT_PITCH
GROUPS = ROWS_PER_W // LANES
GBLOCK = LANES * OUT_PITCH

TABLE_SIZE = NUM_FEATURES * NUM_BINS * EMB_DIM
BB_SIZE = NUM_FEATURES * (NUM_BINS + 1)

EB_OFF = 0
EM_OFF = NUM_FEATURES * NUM_INNER * LANES
ES_OFF = EM_OFF + NUM_FEATURES * LANES
EXP_SIZE = ES_OFF + NUM_FEATURES * LANES


def _take(a, idx):
    return a.at[idx].get(mode="promise_in_bounds")


def _sc_body(raw_hbm, bb_hbm, means_hbm, stds_hbm, table_hbm, out_hbm,
             raw_v, bb_v, ms_v, table_v, exp_v, rows_v, sem, osem):
    wid = lax.axis_index("s") * NC + lax.axis_index("c")
    wbase = wid * OUT_PER_W

    descs = [
        pltpu.async_copy(
            raw_hbm.at[pl.ds(i * BATCH + wid * ROWS_PER_W, ROWS_PER_W)],
            raw_v.at[pl.ds(i * ROWS_PER_W, ROWS_PER_W)], sem)
        for i in range(NUM_FEATURES)
    ]
    descs.append(pltpu.async_copy(bb_hbm, bb_v.at[pl.ds(0, BB_SIZE)], sem))
    descs.append(pltpu.async_copy(means_hbm, ms_v.at[pl.ds(0, NUM_FEATURES)],
                                  sem))
    descs.append(pltpu.async_copy(stds_hbm,
                                  ms_v.at[pl.ds(LANES, NUM_FEATURES)], sem))
    descs.append(pltpu.async_copy(table_hbm, table_v.at[pl.ds(0, TABLE_SIZE)],
                                  sem))
    for d in descs:
        d.wait()

    lane = lax.broadcasted_iota(jnp.int32, (LANES,), 0)
    full_l = [jnp.full((LANES,), l, jnp.int32) for l in range(LANES)]
    half = lane >> 1
    parity = lane & 1
    tail_e = [half + (j * 8) for j in range(2)]
    tail_src = parity + 16
    tail_dst = [tail_e[j] * OUT_PITCH + tail_src for j in range(2)]

    packs = [bb_v[pl.ds(v * LANES, LANES)] for v in range(5)]
    pm = ms_v[pl.ds(0, LANES)]
    ps = ms_v[pl.ds(LANES, LANES)]

    def bcast(p):
        return _take(packs[p // LANES], full_l[p % LANES])

    for i in range(NUM_FEATURES):
        for k in range(NUM_INNER):
            exp_v[pl.ds(EB_OFF + (i * NUM_INNER + k) * LANES, LANES)] = (
                bcast(i * (NUM_BINS + 1) + k + 1))
        exp_v[pl.ds(EM_OFF + i * LANES, LANES)] = _take(pm, full_l[i])
        exp_v[pl.ds(ES_OFF + i * LANES, LANES)] = _take(ps, full_l[i])

    def body(g, carry):
        gbase = g * GBLOCK

        def feat(i, c):
            mean_i = exp_v[pl.ds(EM_OFF + i * LANES, LANES)]
            std_i = exp_v[pl.ds(ES_OFF + i * LANES, LANES)]
            vals = raw_v[pl.ds(i * ROWS_PER_W + g * LANES, LANES)]
            x = (vals - mean_i) / (std_i + 1e-8)
            cs = []
            for k in range(NUM_INNER):
                bk = exp_v[pl.ds(EB_OFF + i * (NUM_INNER * LANES)
                                 + k * LANES, LANES)]
                cs.append((x > bk).astype(jnp.int32))
            cnt = (((cs[0] + cs[1]) + (cs[2] + cs[3]))
                   + ((cs[4] + cs[5]) + (cs[6] + cs[7]))) + cs[8]
            src0 = cnt * EMB_DIM + i * (NUM_BINS * EMB_DIM)
            es = [plsc.load_gather(table_v, [_take(src0, full_l[l]) + lane])
                  for l in range(LANES)]
            ts = [plsc.load_gather(table_v, [_take(src0, tail_e[j])
                                             + tail_src])
                  for j in range(2)]
            dbase = gbase + i * EMB_DIM
            for l in range(LANES):
                plsc.store_scatter(rows_v, [lane + (dbase + l * OUT_PITCH)],
                                   es[l])
            for j in range(2):
                plsc.store_scatter(rows_v, [tail_dst[j] + dbase], ts[j])
            return c

        lax.fori_loop(0, NUM_FEATURES, feat, 0)
        pltpu.async_copy(rows_v.at[pl.ds(gbase, GBLOCK)],
                         out_hbm.at[pl.ds(wbase + gbase, GBLOCK)], osem)

        @pl.when(g > 0)
        def _():
            pltpu.make_async_copy(
                rows_v.at[pl.ds(gbase - GBLOCK, GBLOCK)],
                out_hbm.at[pl.ds(wbase + gbase - GBLOCK, GBLOCK)],
                osem).wait()

        return carry

    lax.fori_loop(0, GROUPS, body, 0)
    pltpu.make_async_copy(
        rows_v.at[pl.ds((GROUPS - 1) * GBLOCK, GBLOCK)],
        out_hbm.at[pl.ds(wbase + (GROUPS - 1) * GBLOCK, GBLOCK)],
        osem).wait()


@jax.jit
def _encode(raw_t_flat, bb_flat, means, stds, table_flat):
    mesh = plsc.VectorSubcoreMesh(
        core_axis_name="c", subcore_axis_name="s",
        num_cores=NC, num_subcores=NS,
    )
    return pl.kernel(
        _sc_body,
        out_type=jax.ShapeDtypeStruct((BATCH * OUT_PITCH,), jnp.float32),
        mesh=mesh,
        compiler_params=pltpu.CompilerParams(needs_layout_passes=False),
        scratch_types=[
            pltpu.VMEM((NUM_FEATURES * ROWS_PER_W,), jnp.float32),
            pltpu.VMEM((5 * LANES,), jnp.float32),
            pltpu.VMEM((2 * LANES,), jnp.float32),
            pltpu.VMEM((TABLE_SIZE + 4,), jnp.float32),
            pltpu.VMEM((EXP_SIZE,), jnp.float32),
            pltpu.VMEM((OUT_PER_W,), jnp.float32),
            pltpu.SemaphoreType.DMA,
            pltpu.SemaphoreType.DMA,
        ],
    )(raw_t_flat, bb_flat, means, stds, table_flat)


def kernel(raw_features, feature_means, feature_stds, bin_boundaries,
           emb_tables):
    raw_t_flat = raw_features.T.reshape(BATCH * NUM_FEATURES)
    bb_flat = bin_boundaries.reshape(BB_SIZE)
    table_flat = emb_tables.reshape(TABLE_SIZE)
    out = _encode(raw_t_flat, bb_flat, feature_means, feature_stds,
                  table_flat)
    return out.reshape(BATCH, OUT_PITCH)[:, :NUM_FEATURES * EMB_DIM]

# --- scband reference (transcript-rebuilt; emitter-appended) ---
"""Pipeline reference for scband-telemetry-encoder-25744033972535 (READ-ONLY COPY).

The authoritative reference and input builder live on the scoring server;
editing this copy changes nothing except your own understanding.
"""

import jax, jax.numpy as jnp
import numpy as np

NUM_FEATURES = 7
NUM_BINS = 10
FEATURE_DIM = 128
EMB_DIM = FEATURE_DIM // NUM_FEATURES  # 18
BATCH = 16384


def _init_bins():
    bs = [
        np.linspace(0.0, 1.0, NUM_BINS + 1),
        np.linspace(0.0, 1.0, NUM_BINS + 1),
        np.linspace(-1.0, 1.0, NUM_BINS + 1),
        np.logspace(-3.0, 1.0, NUM_BINS + 1),
        np.linspace(0.0, 1.0, NUM_BINS + 1),
        np.logspace(-3.0, 1.0, NUM_BINS + 1),
        np.linspace(0.0, 1.0, NUM_BINS + 1),
    ]
    return jnp.asarray(np.stack(bs), dtype=jnp.float32)


def setup_inputs(seed: int = 0) -> dict:
    key = jax.random.key(seed)
    k1, k2 = jax.random.split(key)
    raw_features = jax.random.uniform(k1, (BATCH, NUM_FEATURES), dtype=jnp.float32)
    feature_means = jnp.zeros((NUM_FEATURES,), dtype=jnp.float32)
    feature_stds = jnp.ones((NUM_FEATURES,), dtype=jnp.float32)
    bin_boundaries = _init_bins()
    emb_tables = jax.random.normal(k2, (NUM_FEATURES, NUM_BINS, EMB_DIM), dtype=jnp.float32) * 0.02
    return {
        "raw_features": raw_features,
        "feature_means": feature_means,
        "feature_stds": feature_stds,
        "bin_boundaries": bin_boundaries,
        "emb_tables": emb_tables,
    }


def reference(raw_features, feature_means, feature_stds, bin_boundaries, emb_tables):
    # normalize (eval mode: no running-stat update)
    normalized = (raw_features - feature_means) / (feature_stds + 1e-08)
    # bin each feature via searchsorted on inner boundaries, then embedding lookup
    embeddings = []
    for i in range(NUM_FEATURES):
        vals = normalized[:, i]
        inner = bin_boundaries[i, 1:-1]
        idx = jnp.searchsorted(inner, vals, side="left")
        idx = jnp.clip(idx, 0, NUM_BINS - 1)
        embeddings.append(jnp.take(emb_tables[i], idx, axis=0))
    encoded = jnp.concatenate(embeddings, axis=1)
    return encoded

if __name__ == "__main__":
    import jax
    _d = setup_inputs()
    print(jax.jit(kernel)(*tuple(_d.values())))

</pallas_src>

<mosaic_0001>
#map = affine_map<(d0, d1) -> (0)>
module attributes {stable_mosaic.version = 14 : i64} {
  func.func @_sc_body(%arg0: i32, %arg1: i32, %arg2: memref<114688xf32, #tpu.memory_space<hbm>>, %arg3: memref<77xf32, #tpu.memory_space<hbm>>, %arg4: memref<7xf32, #tpu.memory_space<hbm>>, %arg5: memref<7xf32, #tpu.memory_space<hbm>>, %arg6: memref<1260xf32, #tpu.memory_space<hbm>>, %arg7: memref<2097152xf32, #tpu.memory_space<hbm>>, %arg8: memref<3584xf32, #tpu.memory_space<vmem>>, %arg9: memref<80xf32, #tpu.memory_space<vmem>>, %arg10: memref<32xf32, #tpu.memory_space<vmem>>, %arg11: memref<1264xf32, #tpu.memory_space<vmem>>, %arg12: memref<1232xf32, #tpu.memory_space<vmem>>, %arg13: memref<65536xf32, #tpu.memory_space<vmem>>, %arg14: memref<!tpu.dma_semaphore, #tpu.memory_space<semaphore_mem>>, %arg15: memref<!tpu.dma_semaphore, #tpu.memory_space<semaphore_mem>>) attributes {dimension_semantics = [#tpu.dimension_semantics<core_parallel>, #tpu.dimension_semantics<subcore_parallel>], iteration_bounds = array<i64: 2, 16>, scalar_prefetch = 0 : i64, scratch_operands = 8 : i64, tpu.core_type = #tpu.core_type<sc_vector_subcore>, window_params = [{transform_indices = #map}, {transform_indices = #map}, {transform_indices = #map}, {transform_indices = #map}, {transform_indices = #map}, {transform_indices = #map}]} {
    %mul3A = arith.constant 2 : i32
    %mul3A_0 = arith.muli %arg1, %mul3A : i32
    %add3A = arith.addi %mul3A_0, %arg0 : i32
    %mul3A_1 = arith.constant 65536 : i32
    %mul3A_2 = arith.muli %add3A, %mul3A_1 : i32
    %mul3A_3 = arith.constant 512 : i32
    %mul3A_4 = arith.muli %add3A, %mul3A_3 : i32
    %add3A_5 = arith.constant 0 : i32
    %add3A_6 = arith.addi %add3A_5, %mul3A_4 : i32
    %dma_start3A = arith.constant 0 : i32
    %dma_start3A_7 = tpu.memref_slice %arg8[%dma_start3A] : memref<3584xf32, #tpu.memory_space<vmem>> -> memref<512xf32, #tpu.memory_space<vmem>>
    %dma_start3A_8 = tpu.memref_slice %arg2[%add3A_6] : memref<114688xf32, #tpu.memory_space<hbm>> -> memref<512xf32, #tpu.memory_space<hbm>>
    %dma_start3A_9 = arith.constant 0 : i32
    %dma_start3A_10 = tpu.memref_slice %arg8[%dma_start3A_9] : memref<3584xf32, #tpu.memory_space<vmem>> -> memref<512xf32, #tpu.memory_space<vmem>>
    %dma_start3A_11 = tpu.memref_slice %arg2[%add3A_6] : memref<114688xf32, #tpu.memory_space<hbm>> -> memref<512xf32, #tpu.memory_space<hbm>>
    tpu.enqueue_dma source(%dma_start3A_11 : memref<512xf32, #tpu.memory_space<hbm>>) target(%dma_start3A_10 : memref<512xf32, #tpu.memory_space<vmem>>) target_semaphore(%arg14 : memref<!tpu.dma_semaphore, #tpu.memory_space<semaphore_mem>>)
    %mul3A_12 = arith.constant 512 : i32
    %mul3A_13 = arith.muli %add3A, %mul3A_12 : i32
    %add3A_14 = arith.constant 16384 : i32
    %add3A_15 = arith.addi %add3A_14, %mul3A_13 : i32
    %dma_start3A_16 = arith.constant 512 : i32
    %dma_start3A_17 = tpu.memref_slice %arg8[%dma_start3A_16] : memref<3584xf32, #tpu.memory_space<vmem>> -> memref<512xf32, #tpu.memory_space<vmem>>
    %dma_start3A_18 = tpu.memref_slice %arg2[%add3A_15] : memref<114688xf32, #tpu.memory_space<hbm>> -> memref<512xf32, #tpu.memory_space<hbm>>
    %dma_start3A_19 = arith.constant 512 : i32
    %dma_start3A_20 = tpu.memref_slice %arg8[%dma_start3A_19] : memref<3584xf32, #tpu.memory_space<vmem>> -> memref<512xf32, #tpu.memory_space<vmem>>
    %dma_start3A_21 = tpu.memref_slice %arg2[%add3A_15] : memref<114688xf32, #tpu.memory_space<hbm>> -> memref<512xf32, #tpu.memory_space<hbm>>
    tpu.enqueue_dma source(%dma_start3A_21 : memref<512xf32, #tpu.memory_space<hbm>>) target(%dma_start3A_20 : memref<512xf32, #tpu.memory_space<vmem>>) target_semaphore(%arg14 : memref<!tpu.dma_semaphore, #tpu.memory_space<semaphore_mem>>)
    %mul3A_22 = arith.constant 512 : i32
    %mul3A_23 = arith.muli %add3A, %mul3A_22 : i32
    %add3A_24 = arith.constant 32768 : i32
    %add3A_25 = arith.addi %add3A_24, %mul3A_23 : i32
    %dma_start3A_26 = arith.constant 1024 : i32
    %dma_start3A_27 = tpu.memref_slice %arg8[%dma_start3A_26] : memref<3584xf32, #tpu.memory_space<vmem>> -> memref<512xf32, #tpu.memory_space<vmem>>
    %dma_start3A_28 = tpu.memref_slice %arg2[%add3A_25] : memref<114688xf32, #tpu.memory_space<hbm>> -> memref<512xf32, #tpu.memory_space<hbm>>
    %dma_start3A_29 = arith.constant 1024 : i32
    %dma_start3A_30 = tpu.memref_slice %arg8[%dma_start3A_29] : memref<3584xf32, #tpu.memory_space<vmem>> -> memref<512xf32, #tpu.memory_space<vmem>>
    %dma_start3A_31 = tpu.memref_slice %arg2[%add3A_25] : memref<114688xf32, #tpu.memory_space<hbm>> -> memref<512xf32, #tpu.memory_space<hbm>>
    tpu.enqueue_dma source(%dma_start3A_31 : memref<512xf32, #tpu.memory_space<hbm>>) target(%dma_start3A_30 : memref<512xf32, #tpu.memory_space<vmem>>) target_semaphore(%arg14 : memref<!tpu.dma_semaphore, #tpu.memory_space<semaphore_mem>>)
    %mul3A_32 = arith.constant 512 : i32
    %mul3A_33 = arith.muli %add3A, %mul3A_32 : i32
    %add3A_34 = arith.constant 49152 : i32
    %add3A_35 = arith.addi %add3A_34, %mul3A_33 : i32
    %dma_start3A_36 = arith.constant 1536 : i32
    %dma_start3A_37 = tpu.memref_slice %arg8[%dma_start3A_36] : memref<3584xf32, #tpu.memory_space<vmem>> -> memref<512xf32, #tpu.memory_space<vmem>>
    %dma_start3A_38 = tpu.memref_slice %arg2[%add3A_35] : memref<114688xf32, #tpu.memory_space<hbm>> -> memref<512xf32, #tpu.memory_space<hbm>>
    %dma_start3A_39 = arith.constant 1536 : i32
    %dma_start3A_40 = tpu.memref_slice %arg8[%dma_start3A_39] : memref<3584xf32, #tpu.memory_space<vmem>> -> memref<512xf32, #tpu.memory_space<vmem>>
    %dma_start3A_41 = tpu.memref_slice %arg2[%add3A_35] : memref<114688xf32, #tpu.memory_space<hbm>> -> memref<512xf32, #tpu.memory_space<hbm>>
    tpu.enqueue_dma source(%dma_start3A_41 : memref<512xf32, #tpu.memory_space<hbm>>) target(%dma_start3A_40 : memref<512xf32, #tpu.memory_space<vmem>>) target_semaphore(%arg14 : memref<!tpu.dma_semaphore, #tpu.memory_space<semaphore_mem>>)
    %mul3A_42 = arith.constant 512 : i32
    %mul3A_43 = arith.muli %add3A, %mul3A_42 : i32
    %add3A_44 = arith.constant 65536 : i32
    %add3A_45 = arith.addi %add3A_44, %mul3A_43 : i32
    %dma_start3A_46 = arith.constant 2048 : i32
    %dma_start3A_47 = tpu.memref_slice %arg8[%dma_start3A_46] : memref<3584xf32, #tpu.memory_space<vmem>> -> memref<512xf32, #tpu.memory_space<vmem>>
    %dma_start3A_48 = tpu.memref_slice %arg2[%add3A_45] : memref<114688xf32, #tpu.memory_space<hbm>> -> memref<512xf32, #tpu.memory_space<hbm>>
    %dma_start3A_49 = arith.constant 2048 : i32
    %dma_start3A_50 = tpu.memref_slice %arg8[%dma_start3A_49] : memref<3584xf32, #tpu.memory_space<vmem>> -> memref<512xf32, #tpu.memory_space<vmem>>
    %dma_start3A_51 = tpu.memref_slice %arg2[%add3A_45] : memref<114688xf32, #tpu.memory_space<hbm>> -> memref<512xf32, #tpu.memory_space<hbm>>
    tpu.enqueue_dma source(%dma_start3A_51 : memref<512xf32, #tpu.memory_space<hbm>>) target(%dma_start3A_50 : memref<512xf32, #tpu.memory_space<vmem>>) target_semaphore(%arg14 : memref<!tpu.dma_semaphore, #tpu.memory_space<semaphore_mem>>)
    %mul3A_52 = arith.constant 512 : i32
    %mul3A_53 = arith.muli %add3A, %mul3A_52 : i32
    %add3A_54 = arith.constant 81920 : i32
    %add3A_55 = arith.addi %add3A_54, %mul3A_53 : i32
    %dma_start3A_56 = arith.constant 2560 : i32
    %dma_start3A_57 = tpu.memref_slice %arg8[%dma_start3A_56] : memref<3584xf32, #tpu.memory_space<vmem>> -> memref<512xf32, #tpu.memory_space<vmem>>
    %dma_start3A_58 = tpu.memref_slice %arg2[%add3A_55] : memref<114688xf32, #tpu.memory_space<hbm>> -> memref<512xf32, #tpu.memory_space<hbm>>
    %dma_start3A_59 = arith.constant 2560 : i32
    %dma_start3A_60 = tpu.memref_slice %arg8[%dma_start3A_59] : memref<3584xf32, #tpu.memory_space<vmem>> -> memref<512xf32, #tpu.memory_space<vmem>>
    %dma_start3A_61 = tpu.memref_slice %arg2[%add3A_55] : memref<114688xf32, #tpu.memory_space<hbm>> -> memref<512xf32, #tpu.memory_space<hbm>>
    tpu.enqueue_dma source(%dma_start3A_61 : memref<512xf32, #tpu.memory_space<hbm>>) target(%dma_start3A_60 : memref<512xf32, #tpu.memory_space<vmem>>) target_semaphore(%arg14 : memref<!tpu.dma_semaphore, #tpu.memory_space<semaphore_mem>>)
    %mul3A_62 = arith.constant 512 : i32
    %mul3A_63 = arith.muli %add3A, %mul3A_62 : i32
    %add3A_64 = arith.constant 98304 : i32
    %add3A_65 = arith.addi %add3A_64, %mul3A_63 : i32
    %dma_start3A_66 = arith.constant 3072 : i32
    %dma_start3A_67 = tpu.memref_slice %arg8[%dma_start3A_66] : memref<3584xf32, #tpu.memory_space<vmem>> -> memref<512xf32, #tpu.memory_space<vmem>>
    %dma_start3A_68 = tpu.memref_slice %arg2[%add3A_65] : memref<114688xf32, #tpu.memory_space<hbm>> -> memref<512xf32, #tpu.memory_space<hbm>>
    %dma_start3A_69 = arith.constant 3072 : i32
    %dma_start3A_70 = tpu.memref_slice %arg8[%dma_start3A_69] : memref<3584xf32, #tpu.memory_space<vmem>> -> memref<512xf32, #tpu.memory_space<vmem>>
    %dma_start3A_71 = tpu.memref_slice %arg2[%add3A_65] : memref<114688xf32, #tpu.memory_space<hbm>> -> memref<512xf32, #tpu.memory_space<hbm>>
    tpu.enqueue_dma source(%dma_start3A_71 : memref<512xf32, #tpu.memory_space<hbm>>) target(%dma_start3A_70 : memref<512xf32, #tpu.memory_space<vmem>>) target_semaphore(%arg14 : memref<!tpu.dma_semaphore, #tpu.memory_space<semaphore_mem>>)
    %dma_start3A_72 = arith.constant 0 : i32
    %dma_start3A_73 = tpu.memref_slice %arg9[%dma_start3A_72] : memref<80xf32, #tpu.memory_space<vmem>> -> memref<77xf32, #tpu.memory_space<vmem>>
    %dma_start3A_74 = arith.constant 0 : i32
    %dma_start3A_75 = tpu.memref_slice %arg9[%dma_start3A_74] : memref<80xf32, #tpu.memory_space<vmem>> -> memref<77xf32, #tpu.memory_space<vmem>>
    tpu.enqueue_dma source(%arg3 : memref<77xf32, #tpu.memory_space<hbm>>) target(%dma_start3A_75 : memref<77xf32, #tpu.memory_space<vmem>>) target_semaphore(%arg14 : memref<!tpu.dma_semaphore, #tpu.memory_space<semaphore_mem>>)
    %dma_start3A_76 = arith.constant 0 : i32
    %dma_start3A_77 = tpu.memref_slice %arg10[%dma_start3A_76] : memref<32xf32, #tpu.memory_space<vmem>> -> memref<7xf32, #tpu.memory_space<vmem>>
    %dma_start3A_78 = arith.constant 0 : i32
    %dma_start3A_79 = tpu.memref_slice %arg10[%dma_start3A_78] : memref<32xf32, #tpu.memory_space<vmem>> -> memref<7xf32, #tpu.memory_space<vmem>>
    tpu.enqueue_dma source(%arg4 : memref<7xf32, #tpu.memory_space<hbm>>) target(%dma_start3A_79 : memref<7xf32, #tpu.memory_space<vmem>>) target_semaphore(%arg14 : memref<!tpu.dma_semaphore, #tpu.memory_space<semaphore_mem>>)
    %dma_start3A_80 = arith.constant 16 : i32
    %dma_start3A_81 = tpu.memref_slice %arg10[%dma_start3A_80] : memref<32xf32, #tpu.memory_space<vmem>> -> memref<7xf32, #tpu.memory_space<vmem>>
    %dma_start3A_82 = arith.constant 16 : i32
    %dma_start3A_83 = tpu.memref_slice %arg10[%dma_start3A_82] : memref<32xf32, #tpu.memory_space<vmem>> -> memref<7xf32, #tpu.memory_space<vmem>>
    tpu.enqueue_dma source(%arg5 : memref<7xf32, #tpu.memory_space<hbm>>) target(%dma_start3A_83 : memref<7xf32, #tpu.memory_space<vmem>>) target_semaphore(%arg14 : memref<!tpu.dma_semaphore, #tpu.memory_space<semaphore_mem>>)
    %dma_start3A_84 = arith.constant 0 : i32
    %dma_start3A_85 = tpu.memref_slice %arg11[%dma_start3A_84] : memref<1264xf32, #tpu.memory_space<vmem>> -> memref<1260xf32, #tpu.memory_space<vmem>>
    %dma_start3A_86 = arith.constant 0 : i32
    %dma_start3A_87 = tpu.memref_slice %arg11[%dma_start3A_86] : memref<1264xf32, #tpu.memory_space<vmem>> -> memref<1260xf32, #tpu.memory_space<vmem>>
    tpu.enqueue_dma source(%arg6 : memref<1260xf32, #tpu.memory_space<hbm>>) target(%dma_start3A_87 : memref<1260xf32, #tpu.memory_space<vmem>>) target_semaphore(%arg14 : memref<!tpu.dma_semaphore, #tpu.memory_space<semaphore_mem>>)
    %dma_wait3A = arith.constant 0 : i32
    %dma_wait3A_88 = tpu.memref_slice %arg8[%dma_wait3A] : memref<3584xf32, #tpu.memory_space<vmem>> -> memref<512xf32, #tpu.memory_space<vmem>>
    %dma_wait3A_89 = tpu.memref_slice %arg2[%add3A_6] : memref<114688xf32, #tpu.memory_space<hbm>> -> memref<512xf32, #tpu.memory_space<hbm>>
    %dma_wait3A_90 = arith.constant 0 : i32
    %dma_wait3A_91 = tpu.memref_slice %arg8[%dma_wait3A_90] : memref<3584xf32, #tpu.memory_space<vmem>> -> memref<512xf32, #tpu.memory_space<vmem>>
    %dma_wait3A_92 = tpu.memref_slice %arg2[%add3A_6] : memref<114688xf32, #tpu.memory_space<hbm>> -> memref<512xf32, #tpu.memory_space<hbm>>
    tpu.wait_dma2 semaphore(%arg14 : memref<!tpu.dma_semaphore, #tpu.memory_space<semaphore_mem>>) src(%dma_wait3A_92 : memref<512xf32, #tpu.memory_space<hbm>>) dst(%dma_wait3A_91 : memref<512xf32, #tpu.memory_space<vmem>>)
    %dma_wait3A_93 = arith.constant 512 : i32
    %dma_wait3A_94 = tpu.memref_slice %arg8[%dma_wait3A_93] : memref<3584xf32, #tpu.memory_space<vmem>> -> memref<512xf32, #tpu.memory_space<vmem>>
    %dma_wait3A_95 = tpu.memref_slice %arg2[%add3A_15] : memref<114688xf32, #tpu.memory_space<hbm>> -> memref<512xf32, #tpu.memory_space<hbm>>
    %dma_wait3A_96 = arith.constant 512 : i32
    %dma_wait3A_97 = tpu.memref_slice %arg8[%dma_wait3A_96] : memref<3584xf32, #tpu.memory_space<vmem>> -> memref<512xf32, #tpu.memory_space<vmem>>
    %dma_wait3A_98 = tpu.memref_slice %arg2[%add3A_15] : memref<114688xf32, #tpu.memory_space<hbm>> -> memref<512xf32, #tpu.memory_space<hbm>>
    tpu.wait_dma2 semaphore(%arg14 : memref<!tpu.dma_semaphore, #tpu.memory_space<semaphore_mem>>) src(%dma_wait3A_98 : memref<512xf32, #tpu.memory_space<hbm>>) dst(%dma_wait3A_97 : memref<512xf32, #tpu.memory_space<vmem>>)
    %dma_wait3A_99 = arith.constant 1024 : i32
    %dma_wait3A_100 = tpu.memref_slice %arg8[%dma_wait3A_99] : memref<3584xf32, #tpu.memory_space<vmem>> -> memref<512xf32, #tpu.memory_space<vmem>>
    %dma_wait3A_101 = tpu.memref_slice %arg2[%add3A_25] : memref<114688xf32, #tpu.memory_space<hbm>> -> memref<512xf32, #tpu.memory_space<hbm>>
    %dma_wait3A_102 = arith.constant 1024 : i32
    %dma_wait3A_103 = tpu.memref_slice %arg8[%dma_wait3A_102] : memref<3584xf32, #tpu.memory_space<vmem>> -> memref<512xf32, #tpu.memory_space<vmem>>
    %dma_wait3A_104 = tpu.memref_slice %arg2[%add3A_25] : memref<114688xf32, #tpu.memory_space<hbm>> -> memref<512xf32, #tpu.memory_space<hbm>>
    tpu.wait_dma2 semaphore(%arg14 : memref<!tpu.dma_semaphore, #tpu.memory_space<semaphore_mem>>) src(%dma_wait3A_104 : memref<512xf32, #tpu.memory_space<hbm>>) dst(%dma_wait3A_103 : memref<512xf32, #tpu.memory_space<vmem>>)
    %dma_wait3A_105 = arith.constant 1536 : i32
    %dma_wait3A_106 = tpu.memref_slice %arg8[%dma_wait3A_105] : memref<3584xf32, #tpu.memory_space<vmem>> -> memref<512xf32, #tpu.memory_space<vmem>>
    %dma_wait3A_107 = tpu.memref_slice %arg2[%add3A_35] : memref<114688xf32, #tpu.memory_space<hbm>> -> memref<512xf32, #tpu.memory_space<hbm>>
    %dma_wait3A_108 = arith.constant 1536 : i32
    %dma_wait3A_109 = tpu.memref_slice %arg8[%dma_wait3A_108] : memref<3584xf32, #tpu.memory_space<vmem>> -> memref<512xf32, #tpu.memory_space<vmem>>
    %dma_wait3A_110 = tpu.memref_slice %arg2[%add3A_35] : memref<114688xf32, #tpu.memory_space<hbm>> -> memref<512xf32, #tpu.memory_space<hbm>>
    tpu.wait_dma2 semaphore(%arg14 : memref<!tpu.dma_semaphore, #tpu.memory_space<semaphore_mem>>) src(%dma_wait3A_110 : memref<512xf32, #tpu.memory_space<hbm>>) dst(%dma_wait3A_109 : memref<512xf32, #tpu.memory_space<vmem>>)
    %dma_wait3A_111 = arith.constant 2048 : i32
    %dma_wait3A_112 = tpu.memref_slice %arg8[%dma_wait3A_111] : memref<3584xf32, #tpu.memory_space<vmem>> -> memref<512xf32, #tpu.memory_space<vmem>>
    %dma_wait3A_113 = tpu.memref_slice %arg2[%add3A_45] : memref<114688xf32, #tpu.memory_space<hbm>> -> memref<512xf32, #tpu.memory_space<hbm>>
    %dma_wait3A_114 = arith.constant 2048 : i32
    %dma_wait3A_115 = tpu.memref_slice %arg8[%dma_wait3A_114] : memref<3584xf32, #tpu.memory_space<vmem>> -> memref<512xf32, #tpu.memory_space<vmem>>
    %dma_wait3A_116 = tpu.memref_slice %arg2[%add3A_45] : memref<114688xf32, #tpu.memory_space<hbm>> -> memref<512xf32, #tpu.memory_space<hbm>>
    tpu.wait_dma2 semaphore(%arg14 : memref<!tpu.dma_semaphore, #tpu.memory_space<semaphore_mem>>) src(%dma_wait3A_116 : memref<512xf32, #tpu.memory_space<hbm>>) dst(%dma_wait3A_115 : memref<512xf32, #tpu.memory_space<vmem>>)
    %dma_wait3A_117 = arith.constant 2560 : i32
    %dma_wait3A_118 = tpu.memref_slice %arg8[%dma_wait3A_117] : memref<3584xf32, #tpu.memory_space<vmem>> -> memref<512xf32, #tpu.memory_space<vmem>>
    %dma_wait3A_119 = tpu.memref_slice %arg2[%add3A_55] : memref<114688xf32, #tpu.memory_space<hbm>> -> memref<512xf32, #tpu.memory_space<hbm>>
    %dma_wait3A_120 = arith.constant 2560 : i32
    %dma_wait3A_121 = tpu.memref_slice %arg8[%dma_wait3A_120] : memref<3584xf32, #tpu.memory_space<vmem>> -> memref<512xf32, #tpu.memory_space<vmem>>
    %dma_wait3A_122 = tpu.memref_slice %arg2[%add3A_55] : memref<114688xf32, #tpu.memory_space<hbm>> -> memref<512xf32, #tpu.memory_space<hbm>>
    tpu.wait_dma2 semaphore(%arg14 : memref<!tpu.dma_semaphore, #tpu.memory_space<semaphore_mem>>) src(%dma_wait3A_122 : memref<512xf32, #tpu.memory_space<hbm>>) dst(%dma_wait3A_121 : memref<512xf32, #tpu.memory_space<vmem>>)
    %dma_wait3A_123 = arith.constant 3072 : i32
    %dma_wait3A_124 = tpu.memref_slice %arg8[%dma_wait3A_123] : memref<3584xf32, #tpu.memory_space<vmem>> -> memref<512xf32, #tpu.memory_space<vmem>>
    %dma_wait3A_125 = tpu.memref_slice %arg2[%add3A_65] : memref<114688xf32, #tpu.memory_space<hbm>> -> memref<512xf32, #tpu.memory_space<hbm>>
    %dma_wait3A_126 = arith.constant 3072 : i32
    %dma_wait3A_127 = tpu.memref_slice %arg8[%dma_wait3A_126] : memref<3584xf32, #tpu.memory_space<vmem>> -> memref<512xf32, #tpu.memory_space<vmem>>
    %dma_wait3A_128 = tpu.memref_slice %arg2[%add3A_65] : memref<114688xf32, #tpu.memory_space<hbm>> -> memref<512xf32, #tpu.memory_space<hbm>>
    tpu.wait_dma2 semaphore(%arg14 : memref<!tpu.dma_semaphore, #tpu.memory_space<semaphore_mem>>) src(%dma_wait3A_128 : memref<512xf32, #tpu.memory_space<hbm>>) dst(%dma_wait3A_127 : memref<512xf32, #tpu.memory_space<vmem>>)
    %dma_wait3A_129 = arith.constant 0 : i32
    %dma_wait3A_130 = tpu.memref_slice %arg9[%dma_wait3A_129] : memref<80xf32, #tpu.memory_space<vmem>> -> memref<77xf32, #tpu.memory_space<vmem>>
    %dma_wait3A_131 = arith.constant 0 : i32
    %dma_wait3A_132 = tpu.memref_slice %arg9[%dma_wait3A_131] : memref<80xf32, #tpu.memory_space<vmem>> -> memref<77xf32, #tpu.memory_space<vmem>>
    tpu.wait_dma2 semaphore(%arg14 : memref<!tpu.dma_semaphore, #tpu.memory_space<semaphore_mem>>) src(%arg3 : memref<77xf32, #tpu.memory_space<hbm>>) dst(%dma_wait3A_132 : memref<77xf32, #tpu.memory_space<vmem>>)
    %dma_wait3A_133 = arith.constant 0 : i32
    %dma_wait3A_134 = tpu.memref_slice %arg10[%dma_wait3A_133] : memref<32xf32, #tpu.memory_space<vmem>> -> memref<7xf32, #tpu.memory_space<vmem>>
    %dma_wait3A_135 = arith.constant 0 : i32
    %dma_wait3A_136 = tpu.memref_slice %arg10[%dma_wait3A_135] : memref<32xf32, #tpu.memory_space<vmem>> -> memref<7xf32, #tpu.memory_space<vmem>>
    tpu.wait_dma2 semaphore(%arg14 : memref<!tpu.dma_semaphore, #tpu.memory_space<semaphore_mem>>) src(%arg4 : memref<7xf32, #tpu.memory_space<hbm>>) dst(%dma_wait3A_136 : memref<7xf32, #tpu.memory_space<vmem>>)
    %dma_wait3A_137 = arith.constant 16 : i32
    %dma_wait3A_138 = tpu.memref_slice %arg10[%dma_wait3A_137] : memref<32xf32, #tpu.memory_space<vmem>> -> memref<7xf32, #tpu.memory_space<vmem>>
    %dma_wait3A_139 = arith.constant 16 : i32
    %dma_wait3A_140 = tpu.memref_slice %arg10[%dma_wait3A_139] : memref<32xf32, #tpu.memory_space<vmem>> -> memref<7xf32, #tpu.memory_space<vmem>>
    tpu.wait_dma2 semaphore(%arg14 : memref<!tpu.dma_semaphore, #tpu.memory_space<semaphore_mem>>) src(%arg5 : memref<7xf32, #tpu.memory_space<hbm>>) dst(%dma_wait3A_140 : memref<7xf32, #tpu.memory_space<vmem>>)
    %dma_wait3A_141 = arith.constant 0 : i32
    %dma_wait3A_142 = tpu.memref_slice %arg11[%dma_wait3A_141] : memref<1264xf32, #tpu.memory_space<vmem>> -> memref<1260xf32, #tpu.memory_space<vmem>>
    %dma_wait3A_143 = arith.constant 0 : i32
    %dma_wait3A_144 = tpu.memref_slice %arg11[%dma_wait3A_143] : memref<1264xf32, #tpu.memory_space<vmem>> -> memref<1260xf32, #tpu.memory_space<vmem>>
    tpu.wait_dma2 semaphore(%arg14 : memref<!tpu.dma_semaphore, #tpu.memory_space<semaphore_mem>>) src(%arg6 : memref<1260xf32, #tpu.memory_space<hbm>>) dst(%dma_wait3A_144 : memref<1260xf32, #tpu.memory_space<vmem>>)
    %iota3A = tpu.iota {dimensions = array<i32: 0>} : vector<16xi32>
    %broadcast_in_dim3A = arith.constant 0 : i32
    %broadcast_in_dim3A_145 = vector.broadcast %broadcast_in_dim3A : i32 to vector<16xi32>
    %broadcast_in_dim3A_146 = arith.constant 1 : i32
    %broadcast_in_dim3A_147 = vector.broadcast %broadcast_in_dim3A_146 : i32 to vector<16xi32>
    %broadcast_in_dim3A_148 = arith.constant 2 : i32
    %broadcast_in_dim3A_149 = vector.broadcast %broadcast_in_dim3A_148 : i32 to vector<16xi32>
    %broadcast_in_dim3A_150 = arith.constant 3 : i32
    %broadcast_in_dim3A_151 = vector.broadcast %broadcast_in_dim3A_150 : i32 to vector<16xi32>
    %broadcast_in_dim3A_152 = arith.constant 4 : i32
    %broadcast_in_dim3A_153 = vector.broadcast %broadcast_in_dim3A_152 : i32 to vector<16xi32>
    %broadcast_in_dim3A_154 = arith.constant 5 : i32
    %broadcast_in_dim3A_155 = vector.broadcast %broadcast_in_dim3A_154 : i32 to vector<16xi32>
    %broadcast_in_dim3A_156 = arith.constant 6 : i32
    %broadcast_in_dim3A_157 = vector.broadcast %broadcast_in_dim3A_156 : i32 to vector<16xi32>
    %broadcast_in_dim3A_158 = arith.constant 7 : i32
    %broadcast_in_dim3A_159 = vector.broadcast %broadcast_in_dim3A_158 : i32 to vector<16xi32>
    %broadcast_in_dim3A_160 = arith.constant 8 : i32
    %broadcast_in_dim3A_161 = vector.broadcast %broadcast_in_dim3A_160 : i32 to vector<16xi32>
    %broadcast_in_dim3A_162 = arith.constant 9 : i32
    %broadcast_in_dim3A_163 = vector.broadcast %broadcast_in_dim3A_162 : i32 to vector<16xi32>
    %broadcast_in_dim3A_164 = arith.constant 10 : i32
    %broadcast_in_dim3A_165 = vector.broadcast %broadcast_in_dim3A_164 : i32 to vector<16xi32>
    %broadcast_in_dim3A_166 = arith.constant 11 : i32
    %broadcast_in_dim3A_167 = vector.broadcast %broadcast_in_dim3A_166 : i32 to vector<16xi32>
    %broadcast_in_dim3A_168 = arith.constant 12 : i32
    %broadcast_in_dim3A_169 = vector.broadcast %broadcast_in_dim3A_168 : i32 to vector<16xi32>
    %broadcast_in_dim3A_170 = arith.constant 13 : i32
    %broadcast_in_dim3A_171 = vector.broadcast %broadcast_in_dim3A_170 : i32 to vector<16xi32>
    %broadcast_in_dim3A_172 = arith.constant 14 : i32
    %broadcast_in_dim3A_173 = vector.broadcast %broadcast_in_dim3A_172 : i32 to vector<16xi32>
    %broadcast_in_dim3A_174 = arith.constant 15 : i32
    %broadcast_in_dim3A_175 = vector.broadcast %broadcast_in_dim3A_174 : i32 to vector<16xi32>
    %shift_right_arithmetic3A = arith.constant 1 : i32
    %shift_right_arithmetic3A_176 = vector.broadcast %shift_right_arithmetic3A : i32 to vector<16xi32>
    %shift_right_arithmetic3A_177 = arith.shrsi %iota3A, %shift_right_arithmetic3A_176 : vector<16xi32>
    %and3A = arith.constant 1 : i32
    %and3A_178 = vector.broadcast %and3A : i32 to vector<16xi32>
    %and3A_179 = arith.andi %iota3A, %and3A_178 : vector<16xi32>
    %add3A_180 = arith.constant 0 : i32
    %add3A_181 = vector.broadcast %add3A_180 : i32 to vector<16xi32>
    %add3A_182 = arith.addi %shift_right_arithmetic3A_177, %add3A_181 : vector<16xi32>
    %add3A_183 = arith.constant 8 : i32
    %add3A_184 = vector.broadcast %add3A_183 : i32 to vector<16xi32>
    %add3A_185 = arith.addi %shift_right_arithmetic3A_177, %add3A_184 : vector<16xi32>
    %add3A_186 = arith.constant 16 : i32
    %add3A_187 = vector.broadcast %add3A_186 : i32 to vector<16xi32>
    %add3A_188 = arith.addi %and3A_179, %add3A_187 : vector<16xi32>
    %mul3A_189 = arith.constant 128 : i32
    %mul3A_190 = vector.broadcast %mul3A_189 : i32 to vector<16xi32>
    %mul3A_191 = arith.muli %add3A_182, %mul3A_190 : vector<16xi32>
    %add3A_192 = arith.addi %mul3A_191, %add3A_188 : vector<16xi32>
    %mul3A_193 = arith.constant 128 : i32
    %mul3A_194 = vector.broadcast %mul3A_193 : i32 to vector<16xi32>
    %mul3A_195 = arith.muli %add3A_185, %mul3A_194 : vector<16xi32>
    %add3A_196 = arith.addi %mul3A_195, %add3A_188 : vector<16xi32>
    %get3A = arith.constant 0 : index
    %get3A_197 = tpu.vector_load %arg9[%get3A] {strides = array<i32>} : memref<80xf32, #tpu.memory_space<vmem>>, vector<16xf32>,
    %get3A_198 = arith.constant 16 : index
    %get3A_199 = tpu.vector_load %arg9[%get3A_198] {strides = array<i32>} : memref<80xf32, #tpu.memory_space<vmem>>, vector<16xf32>,
    %get3A_200 = arith.constant 32 : index
    %get3A_201 = tpu.vector_load %arg9[%get3A_200] {strides = array<i32>} : memref<80xf32, #tpu.memory_space<vmem>>, vector<16xf32>,
    %get3A_202 = arith.constant 48 : index
    %get3A_203 = tpu.vector_load %arg9[%get3A_202] {strides = array<i32>} : memref<80xf32, #tpu.memory_space<vmem>>, vector<16xf32>,
    %get3A_204 = arith.constant 64 : index
    %get3A_205 = tpu.vector_load %arg9[%get3A_204] {strides = array<i32>} : memref<80xf32, #tpu.memory_space<vmem>>, vector<16xf32>,
    %get3A_206 = arith.constant 0 : index
    %get3A_207 = tpu.vector_load %arg10[%get3A_206] {strides = array<i32>} : memref<32xf32, #tpu.memory_space<vmem>>, vector<16xf32>,
    %get3A_208 = arith.constant 16 : index
    %get3A_209 = tpu.vector_load %arg10[%get3A_208] {strides = array<i32>} : memref<32xf32, #tpu.memory_space<vmem>>, vector<16xf32>,
    %lt3A = arith.constant 0 : i32
    %lt3A_210 = vector.broadcast %lt3A : i32 to vector<16xi32>
    %lt3A_211 = arith.cmpi slt, %broadcast_in_dim3A_147, %lt3A_210 : vector<16xi32>
    %add3A_212 = arith.constant 16 : i32
    %add3A_213 = vector.broadcast %add3A_212 : i32 to vector<16xi32>
    %add3A_214 = arith.addi %broadcast_in_dim3A_147, %add3A_213 : vector<16xi32>
    %select_n3A = arith.select %lt3A_211, %add3A_214, %broadcast_in_dim3A_147 : vector<16xi1>, vector<16xi32>
    %broadcast_in_dim3A_215 = vector.shape_cast %select_n3A : vector<16xi32> to vector<16x1xi32>
    %gather3A = vector.shape_cast %broadcast_in_dim3A_215 : vector<16x1xi32> to vector<16xi32>
    %gather3A_216 = tpu.dynamic_gather %get3A_197[%gather3A] in [0] : vector<16xf32>, vector<16xi32> -> vector<16xf32>
    %swap3A = arith.constant 0 : index
    %swap3A_217 = tpu.vector_load %arg12[%swap3A] {strides = array<i32>} : memref<1232xf32, #tpu.memory_space<vmem>>, vector<16xf32>,
    tpu.vector_store %arg12[%swap3A], %gather3A_216 {strides = array<i32>} : memref<1232xf32, #tpu.memory_space<vmem>>, vector<16xf32>,
    %lt3A_218 = arith.constant 0 : i32
    %lt3A_219 = vector.broadcast %lt3A_218 : i32 to vector<16xi32>
    %lt3A_220 = arith.cmpi slt, %broadcast_in_dim3A_149, %lt3A_219 : vector<16xi32>
    %add3A_221 = arith.constant 16 : i32
    %add3A_222 = vector.broadcast %add3A_221 : i32 to vector<16xi32>
    %add3A_223 = arith.addi %broadcast_in_dim3A_149, %add3A_222 : vector<16xi32>
    %select_n3A_224 = arith.select %lt3A_220, %add3A_223, %broadcast_in_dim3A_149 : vector<16xi1>, vector<16xi32>
    %broadcast_in_dim3A_225 = vector.shape_cast %select_n3A_224 : vector<16xi32> to vector<16x1xi32>
    %gather3A_226 = vector.shape_cast %broadcast_in_dim3A_225 : vector<16x1xi32> to vector<16xi32>
    %gather3A_227 = tpu.dynamic_gather %get3A_197[%gather3A_226] in [0] : vector<16xf32>, vector<16xi32> -> vector<16xf32>
    %swap3A_228 = arith.constant 16 : index
    %swap3A_229 = tpu.vector_load %arg12[%swap3A_228] {strides = array<i32>} : memref<1232xf32, #tpu.memory_space<vmem>>, vector<16xf32>,
    tpu.vector_store %arg12[%swap3A_228], %gather3A_227 {strides = array<i32>} : memref<1232xf32, #tpu.memory_space<vmem>>, vector<16xf32>,
    %lt3A_230 = arith.constant 0 : i32
    %lt3A_231 = vector.broadcast %lt3A_230 : i32 to vector<16xi32>
    %lt3A_232 = arith.cmpi slt, %broadcast_in_dim3A_151, %lt3A_231 : vector<16xi32>
    %add3A_233 = arith.constant 16 : i32
    %add3A_234 = vector.broadcast %add3A_233 : i32 to vector<16xi32>
    %add3A_235 = arith.addi %broadcast_in_dim3A_151, %add3A_234 : vector<16xi32>
    %select_n3A_236 = arith.select %lt3A_232, %add3A_235, %broadcast_in_dim3A_151 : vector<16xi1>, vector<16xi32>
    %broadcast_in_dim3A_237 = vector.shape_cast %select_n3A_236 : vector<16xi32> to vector<16x1xi32>
    %gather3A_238 = vector.shape_cast %broadcast_in_dim3A_237 : vector<16x1xi32> to vector<16xi32>
    %gather3A_239 = tpu.dynamic_gather %get3A_197[%gather3A_238] in [0] : vector<16xf32>, vector<16xi32> -> vector<16xf32>
    %swap3A_240 = arith.constant 32 : index
    %swap3A_241 = tpu.vector_load %arg12[%swap3A_240] {strides = array<i32>} : memref<1232xf32, #tpu.memory_space<vmem>>, vector<16xf32>,
    tpu.vector_store %arg12[%swap3A_240], %gather3A_239 {strides = array<i32>} : memref<1232xf32, #tpu.memory_space<vmem>>, vector<16xf32>,
    %lt3A_242 = arith.constant 0 : i32
    %lt3A_243 = vector.broadcast %lt3A_242 : i32 to vector<16xi32>
    %lt3A_244 = arith.cmpi slt, %broadcast_in_dim3A_153, %lt3A_243 : vector<16xi32>
    %add3A_245 = arith.constant 16 : i32
    %add3A_246 = vector.broadcast %add3A_245 : i32 to vector<16xi32>
    %add3A_247 = arith.addi %broadcast_in_dim3A_153, %add3A_246 : vector<16xi32>
    %select_n3A_248 = arith.select %lt3A_244, %add3A_247, %broadcast_in_dim3A_153 : vector<16xi1>, vector<16xi32>
    %broadcast_in_dim3A_249 = vector.shape_cast %select_n3A_248 : vector<16xi32> to vector<16x1xi32>
    %gather3A_250 = vector.shape_cast %broadcast_in_dim3A_249 : vector<16x1xi32> to vector<16xi32>
    %gather3A_251 = tpu.dynamic_gather %get3A_197[%gather3A_250] in [0] : vector<16xf32>, vector<16xi32> -> vector<16xf32>
    %swap3A_252 = arith.constant 48 : index
    %swap3A_253 = tpu.vector_load %arg12[%swap3A_252] {strides = array<i32>} : memref<1232xf32, #tpu.memory_space<vmem>>, vector<16xf32>,
    tpu.vector_store %arg12[%swap3A_252], %gather3A_251 {strides = array<i32>} : memref<1232xf32, #tpu.memory_space<vmem>>, vector<16xf32>,
    %lt3A_254 = arith.constant 0 : i32
    %lt3A_255 = vector.broadcast %lt3A_254 : i32 to vector<16xi32>
    %lt3A_256 = arith.cmpi slt, %broadcast_in_dim3A_155, %lt3A_255 : vector<16xi32>
    %add3A_257 = arith.constant 16 : i32
    %add3A_258 = vector.broadcast %add3A_257 : i32 to vector<16xi32>
    %add3A_259 = arith.addi %broadcast_in_dim3A_155, %add3A_258 : vector<16xi32>
    %select_n3A_260 = arith.select %lt3A_256, %add3A_259, %broadcast_in_dim3A_155 : vector<16xi1>, vector<16xi32>
    %broadcast_in_dim3A_261 = vector.shape_cast %select_n3A_260 : vector<16xi32> to vector<16x1xi32>
    %gather3A_262 = vector.shape_cast %broadcast_in_dim3A_261 : vector<16x1xi32> to vector<16xi32>
    %gather3A_263 = tpu.dynamic_gather %get3A_197[%gather3A_262] in [0] : vector<16xf32>, vector<16xi32> -> vector<16xf32>
    %swap3A_264 = arith.constant 64 : index
    %swap3A_265 = tpu.vector_load %arg12[%swap3A_264] {strides = array<i32>} : memref<1232xf32, #tpu.memory_space<vmem>>, vector<16xf32>,
    tpu.vector_store %arg12[%swap3A_264], %gather3A_263 {strides = array<i32>} : memref<1232xf32, #tpu.memory_space<vmem>>, vector<16xf32>,
    %lt3A_266 = arith.constant 0 : i32
    %lt3A_267 = vector.broadcast %lt3A_266 : i32 to vector<16xi32>
    %lt3A_268 = arith.cmpi slt, %broadcast_in_dim3A_157, %lt3A_267 : vector<16xi32>
    %add3A_269 = arith.constant 16 : i32
    %add3A_270 = vector.broadcast %add3A_269 : i32 to vector<16xi32>
    %add3A_271 = arith.addi %broadcast_in_dim3A_157, %add3A_270 : vector<16xi32>
    %select_n3A_272 = arith.select %lt3A_268, %add3A_271, %broadcast_in_dim3A_157 : vector<16xi1>, vector<16xi32>
    %broadcast_in_dim3A_273 = vector.shape_cast %select_n3A_272 : vector<16xi32> to vector<16x1xi32>
    %gather3A_274 = vector.shape_cast %broadcast_in_dim3A_273 : vector<16x1xi32> to vector<16xi32>
    %gather3A_275 = tpu.dynamic_gather %get3A_197[%gather3A_274] in [0] : vector<16xf32>, vector<16xi32> -> vector<16xf32>
    %swap3A_276 = arith.constant 80 : index
    %swap3A_277 = tpu.vector_load %arg12[%swap3A_276] {strides = array<i32>} : memref<1232xf32, #tpu.memory_space<vmem>>, vector<16xf32>,
    tpu.vector_store %arg12[%swap3A_276], %gather3A_275 {strides = array<i32>} : memref<1232xf32, #tpu.memory_space<vmem>>, vector<16xf32>,
    %lt3A_278 = arith.constant 0 : i32
    %lt3A_279 = vector.broadcast %lt3A_278 : i32 to vector<16xi32>
    %lt3A_280 = arith.cmpi slt, %broadcast_in_dim3A_159, %lt3A_279 : vector<16xi32>
    %add3A_281 = arith.constant 16 : i32
    %add3A_282 = vector.broadcast %add3A_281 : i32 to vector<16xi32>
    %add3A_283 = arith.addi %broadcast_in_dim3A_159, %add3A_282 : vector<16xi32>
    %select_n3A_284 = arith.select %lt3A_280, %add3A_283, %broadcast_in_dim3A_159 : vector<16xi1>, vector<16xi32>
    %broadcast_in_dim3A_285 = vector.shape_cast %select_n3A_284 : vector<16xi32> to vector<16x1xi32>
    %gather3A_286 = vector.shape_cast %broadcast_in_dim3A_285 : vector<16x1xi32> to vector<16xi32>
    %gather3A_287 = tpu.dynamic_gather %get3A_197[%gather3A_286] in [0] : vector<16xf32>, vector<16xi32> -> vector<16xf32>
    %swap3A_288 = arith.constant 96 : index
    %swap3A_289 = tpu.vector_load %arg12[%swap3A_288] {strides = array<i32>} : memref<1232xf32, #tpu.memory_space<vmem>>, vector<16xf32>,
    tpu.vector_store %arg12[%swap3A_288], %gather3A_287 {strides = array<i32>} : memref<1232xf32, #tpu.memory_space<vmem>>, vector<16xf32>,
    %lt3A_290 = arith.constant 0 : i32
    %lt3A_291 = vector.broadcast %lt3A_290 : i32 to vector<16xi32>
    %lt3A_292 = arith.cmpi slt, %broadcast_in_dim3A_161, %lt3A_291 : vector<16xi32>
    %add3A_293 = arith.constant 16 : i32
    %add3A_294 = vector.broadcast %add3A_293 : i32 to vector<16xi32>
    %add3A_295 = arith.addi %broadcast_in_dim3A_161, %add3A_294 : vector<16xi32>
    %select_n3A_296 = arith.select %lt3A_292, %add3A_295, %broadcast_in_dim3A_161 : vector<16xi1>, vector<16xi32>
    %broadcast_in_dim3A_297 = vector.shape_cast %select_n3A_296 : vector<16xi32> to vector<16x1xi32>
    %gather3A_298 = vector.shape_cast %broadcast_in_dim3A_297 : vector<16x1xi32> to vector<16xi32>
    %gather3A_299 = tpu.dynamic_gather %get3A_197[%gather3A_298] in [0] : vector<16xf32>, vector<16xi32> -> vector<16xf32>
    %swap3A_300 = arith.constant 112 : index
    %swap3A_301 = tpu.vector_load %arg12[%swap3A_300] {strides = array<i32>} : memref<1232xf32, #tpu.memory_space<vmem>>, vector<16xf32>,
    tpu.vector_store %arg12[%swap3A_300], %gather3A_299 {strides = array<i32>} : memref<1232xf32, #tpu.memory_space<vmem>>, vector<16xf32>,
    %lt3A_302 = arith.constant 0 : i32
    %lt3A_303 = vector.broadcast %lt3A_302 : i32 to vector<16xi32>
    %lt3A_304 = arith.cmpi slt, %broadcast_in_dim3A_163, %lt3A_303 : vector<16xi32>
    %add3A_305 = arith.constant 16 : i32
    %add3A_306 = vector.broadcast %add3A_305 : i32 to vector<16xi32>
    %add3A_307 = arith.addi %broadcast_in_dim3A_163, %add3A_306 : vector<16xi32>
    %select_n3A_308 = arith.select %lt3A_304, %add3A_307, %broadcast_in_dim3A_163 : vector<16xi1>, vector<16xi32>
    %broadcast_in_dim3A_309 = vector.shape_cast %select_n3A_308 : vector<16xi32> to vector<16x1xi32>
    %gather3A_310 = vector.shape_cast %broadcast_in_dim3A_309 : vector<16x1xi32> to vector<16xi32>
    %gather3A_311 = tpu.dynamic_gather %get3A_197[%gather3A_310] in [0] : vector<16xf32>, vector<16xi32> -> vector<16xf32>
    %swap3A_312 = arith.constant 128 : index
    %swap3A_313 = tpu.vector_load %arg12[%swap3A_312] {strides = array<i32>} : memref<1232xf32, #tpu.memory_space<vmem>>, vector<16xf32>,
    tpu.vector_store %arg12[%swap3A_312], %gather3A_311 {strides = array<i32>} : memref<1232xf32, #tpu.memory_space<vmem>>, vector<16xf32>,
    %lt3A_314 = arith.constant 0 : i32
    %lt3A_315 = vector.broadcast %lt3A_314 : i32 to vector<16xi32>
    %lt3A_316 = arith.cmpi slt, %broadcast_in_dim3A_145, %lt3A_315 : vector<16xi32>
    %add3A_317 = arith.constant 16 : i32
    %add3A_318 = vector.broadcast %add3A_317 : i32 to vector<16xi32>
    %add3A_319 = arith.addi %broadcast_in_dim3A_145, %add3A_318 : vector<16xi32>
    %select_n3A_320 = arith.select %lt3A_316, %add3A_319, %broadcast_in_dim3A_145 : vector<16xi1>, vector<16xi32>
    %broadcast_in_dim3A_321 = vector.shape_cast %select_n3A_320 : vector<16xi32> to vector<16x1xi32>
    %gather3A_322 = vector.shape_cast %broadcast_in_dim3A_321 : vector<16x1xi32> to vector<16xi32>
    %gather3A_323 = tpu.dynamic_gather %get3A_207[%gather3A_322] in [0] : vector<16xf32>, vector<16xi32> -> vector<16xf32>
    %swap3A_324 = arith.constant 1008 : index
    %swap3A_325 = tpu.vector_load %arg12[%swap3A_324] {strides = array<i32>} : memref<1232xf32, #tpu.memory_space<vmem>>, vector<16xf32>,
    tpu.vector_store %arg12[%swap3A_324], %gather3A_323 {strides = array<i32>} : memref<1232xf32, #tpu.memory_space<vmem>>, vector<16xf32>,
    %lt3A_326 = arith.constant 0 : i32
    %lt3A_327 = vector.broadcast %lt3A_326 : i32 to vector<16xi32>
    %lt3A_328 = arith.cmpi slt, %broadcast_in_dim3A_145, %lt3A_327 : vector<16xi32>
    %add3A_329 = arith.constant 16 : i32
    %add3A_330 = vector.broadcast %add3A_329 : i32 to vector<16xi32>
    %add3A_331 = arith.addi %broadcast_in_dim3A_145, %add3A_330 : vector<16xi32>
    %select_n3A_332 = arith.select %lt3A_328, %add3A_331, %broadcast_in_dim3A_145 : vector<16xi1>, vector<16xi32>
    %broadcast_in_dim3A_333 = vector.shape_cast %select_n3A_332 : vector<16xi32> to vector<16x1xi32>
    %gather3A_334 = vector.shape_cast %broadcast_in_dim3A_333 : vector<16x1xi32> to vector<16xi32>
    %gather3A_335 = tpu.dynamic_gather %get3A_209[%gather3A_334] in [0] : vector<16xf32>, vector<16xi32> -> vector<16xf32>
    %swap3A_336 = arith.constant 1120 : index
    %swap3A_337 = tpu.vector_load %arg12[%swap3A_336] {strides = array<i32>} : memref<1232xf32, #tpu.memory_space<vmem>>, vector<16xf32>,
    tpu.vector_store %arg12[%swap3A_336], %gather3A_335 {strides = array<i32>} : memref<1232xf32, #tpu.memory_space<vmem>>, vector<16xf32>,
    %lt3A_338 = arith.constant 0 : i32
    %lt3A_339 = vector.broadcast %lt3A_338 : i32 to vector<16xi32>
    %lt3A_340 = arith.cmpi slt, %broadcast_in_dim3A_169, %lt3A_339 : vector<16xi32>
    %add3A_341 = arith.constant 16 : i32
    %add3A_342 = vector.broadcast %add3A_341 : i32 to vector<16xi32>
    %add3A_343 = arith.addi %broadcast_in_dim3A_169, %add3A_342 : vector<16xi32>
    %select_n3A_344 = arith.select %lt3A_340, %add3A_343, %broadcast_in_dim3A_169 : vector<16xi1>, vector<16xi32>
    %broadcast_in_dim3A_345 = vector.shape_cast %select_n3A_344 : vector<16xi32> to vector<16x1xi32>
    %gather3A_346 = vector.shape_cast %broadcast_in_dim3A_345 : vector<16x1xi32> to vector<16xi32>
    %gather3A_347 = tpu.dynamic_gather %get3A_197[%gather3A_346] in [0] : vector<16xf32>, vector<16xi32> -> vector<16xf32>
    %swap3A_348 = arith.constant 144 : index
    %swap3A_349 = tpu.vector_load %arg12[%swap3A_348] {strides = array<i32>} : memref<1232xf32, #tpu.memory_space<vmem>>, vector<16xf32>,
    tpu.vector_store %arg12[%swap3A_348], %gather3A_347 {strides = array<i32>} : memref<1232xf32, #tpu.memory_space<vmem>>, vector<16xf32>,
    %lt3A_350 = arith.constant 0 : i32
    %lt3A_351 = vector.broadcast %lt3A_350 : i32 to vector<16xi32>
    %lt3A_352 = arith.cmpi slt, %broadcast_in_dim3A_171, %lt3A_351 : vector<16xi32>
    %add3A_353 = arith.constant 16 : i32
    %add3A_354 = vector.broadcast %add3A_353 : i32 to vector<16xi32>
    %add3A_355 = arith.addi %broadcast_in_dim3A_171, %add3A_354 : vector<16xi32>
    %select_n3A_356 = arith.select %lt3A_352, %add3A_355, %broadcast_in_dim3A_171 : vector<16xi1>, vector<16xi32>
    %broadcast_in_dim3A_357 = vector.shape_cast %select_n3A_356 : vector<16xi32> to vector<16x1xi32>
    %gather3A_358 = vector.shape_cast %broadcast_in_dim3A_357 : vector<16x1xi32> to vector<16xi32>
    %gather3A_359 = tpu.dynamic_gather %get3A_197[%gather3A_358] in [0] : vector<16xf32>, vector<16xi32> -> vector<16xf32>
    %swap3A_360 = arith.constant 160 : index
    %swap3A_361 = tpu.vector_load %arg12[%swap3A_360] {strides = array<i32>} : memref<1232xf32, #tpu.memory_space<vmem>>, vector<16xf32>,
    tpu.vector_store %arg12[%swap3A_360], %gather3A_359 {strides = array<i32>} : memref<1232xf32, #tpu.memory_space<vmem>>, vector<16xf32>,
    %lt3A_362 = arith.constant 0 : i32
    %lt3A_363 = vector.broadcast %lt3A_362 : i32 to vector<16xi32>
    %lt3A_364 = arith.cmpi slt, %broadcast_in_dim3A_173, %lt3A_363 : vector<16xi32>
    %add3A_365 = arith.constant 16 : i32
    %add3A_366 = vector.broadcast %add3A_365 : i32 to vector<16xi32>
    %add3A_367 = arith.addi %broadcast_in_dim3A_173, %add3A_366 : vector<16xi32>
    %select_n3A_368 = arith.select %lt3A_364, %add3A_367, %broadcast_in_dim3A_173 : vector<16xi1>, vector<16xi32>
    %broadcast_in_dim3A_369 = vector.shape_cast %select_n3A_368 : vector<16xi32> to vector<16x1xi32>
    %gather3A_370 = vector.shape_cast %broadcast_in_dim3A_369 : vector<16x1xi32> to vector<16xi32>
    %gather3A_371 = tpu.dynamic_gather %get3A_197[%gather3A_370] in [0] : vector<16xf32>, vector<16xi32> -> vector<16xf32>
    %swap3A_372 = arith.constant 176 : index
    %swap3A_373 = tpu.vector_load %arg12[%swap3A_372] {strides = array<i32>} : memref<1232xf32, #tpu.memory_space<vmem>>, vector<16xf32>,
    tpu.vector_store %arg12[%swap3A_372], %gather3A_371 {strides = array<i32>} : memref<1232xf32, #tpu.memory_space<vmem>>, vector<16xf32>,
    %lt3A_374 = arith.constant 0 : i32
    %lt3A_375 = vector.broadcast %lt3A_374 : i32 to vector<16xi32>
    %lt3A_376 = arith.cmpi slt, %broadcast_in_dim3A_175, %lt3A_375 : vector<16xi32>
    %add3A_377 = arith.constant 16 : i32
    %add3A_378 = vector.broadcast %add3A_377 : i32 to vector<16xi32>
    %add3A_379 = arith.addi %broadcast_in_dim3A_175, %add3A_378 : vector<16xi32>
    %select_n3A_380 = arith.select %lt3A_376, %add3A_379, %broadcast_in_dim3A_175 : vector<16xi1>, vector<16xi32>
    %broadcast_in_dim3A_381 = vector.shape_cast %select_n3A_380 : vector<16xi32> to vector<16x1xi32>
    %gather3A_382 = vector.shape_cast %broadcast_in_dim3A_381 : vector<16x1xi32> to vector<16xi32>
    %gather3A_383 = tpu.dynamic_gather %get3A_197[%gather3A_382] in [0] : vector<16xf32>, vector<16xi32> -> vector<16xf32>
    %swap3A_384 = arith.constant 192 : index
    %swap3A_385 = tpu.vector_load %arg12[%swap3A_384] {strides = array<i32>} : memref<1232xf32, #tpu.memory_space<vmem>>, vector<16xf32>,
    tpu.vector_store %arg12[%swap3A_384], %gather3A_383 {strides = array<i32>} : memref<1232xf32, #tpu.memory_space<vmem>>, vector<16xf32>,
    %lt3A_386 = arith.constant 0 : i32
    %lt3A_387 = vector.broadcast %lt3A_386 : i32 to vector<16xi32>
    %lt3A_388 = arith.cmpi slt, %broadcast_in_dim3A_145, %lt3A_387 : vector<16xi32>
    %add3A_389 = arith.constant 16 : i32
    %add3A_390 = vector.broadcast %add3A_389 : i32 to vector<16xi32>
    %add3A_391 = arith.addi %broadcast_in_dim3A_145, %add3A_390 : vector<16xi32>
    %select_n3A_392 = arith.select %lt3A_388, %add3A_391, %broadcast_in_dim3A_145 : vector<16xi1>, vector<16xi32>
    %broadcast_in_dim3A_393 = vector.shape_cast %select_n3A_392 : vector<16xi32> to vector<16x1xi32>
    %gather3A_394 = vector.shape_cast %broadcast_in_dim3A_393 : vector<16x1xi32> to vector<16xi32>
    %gather3A_395 = tpu.dynamic_gather %get3A_199[%gather3A_394] in [0] : vector<16xf32>, vector<16xi32> -> vector<16xf32>
    %swap3A_396 = arith.constant 208 : index
    %swap3A_397 = tpu.vector_load %arg12[%swap3A_396] {strides = array<i32>} : memref<1232xf32, #tpu.memory_space<vmem>>, vector<16xf32>,
    tpu.vector_store %arg12[%swap3A_396], %gather3A_395 {strides = array<i32>} : memref<1232xf32, #tpu.memory_space<vmem>>, vector<16xf32>,
    %lt3A_398 = arith.constant 0 : i32
    %lt3A_399 = vector.broadcast %lt3A_398 : i32 to vector<16xi32>
    %lt3A_400 = arith.cmpi slt, %broadcast_in_dim3A_147, %lt3A_399 : vector<16xi32>
    %add3A_401 = arith.constant 16 : i32
    %add3A_402 = vector.broadcast %add3A_401 : i32 to vector<16xi32>
    %add3A_403 = arith.addi %broadcast_in_dim3A_147, %add3A_402 : vector<16xi32>
    %select_n3A_404 = arith.select %lt3A_400, %add3A_403, %broadcast_in_dim3A_147 : vector<16xi1>, vector<16xi32>
    %broadcast_in_dim3A_405 = vector.shape_cast %select_n3A_404 : vector<16xi32> to vector<16x1xi32>
    %gather3A_406 = vector.shape_cast %broadcast_in_dim3A_405 : vector<16x1xi32> to vector<16xi32>
    %gather3A_407 = tpu.dynamic_gather %get3A_199[%gather3A_406] in [0] : vector<16xf32>, vector<16xi32> -> vector<16xf32>
    %swap3A_408 = arith.constant 224 : index
    %swap3A_409 = tpu.vector_load %arg12[%swap3A_408] {strides = array<i32>} : memref<1232xf32, #tpu.memory_space<vmem>>, vector<16xf32>,
    tpu.vector_store %arg12[%swap3A_408], %gather3A_407 {strides = array<i32>} : memref<1232xf32, #tpu.memory_space<vmem>>, vector<16xf32>,
    %lt3A_410 = arith.constant 0 : i32
    %lt3A_411 = vector.broadcast %lt3A_410 : i32 to vector<16xi32>
    %lt3A_412 = arith.cmpi slt, %broadcast_in_dim3A_149, %lt3A_411 : vector<16xi32>
    %add3A_413 = arith.constant 16 : i32
    %add3A_414 = vector.broadcast %add3A_413 : i32 to vector<16xi32>
    %add3A_415 = arith.addi %broadcast_in_dim3A_149, %add3A_414 : vector<16xi32>
    %select_n3A_416 = arith.select %lt3A_412, %add3A_415, %broadcast_in_dim3A_149 : vector<16xi1>, vector<16xi32>
    %broadcast_in_dim3A_417 = vector.shape_cast %select_n3A_416 : vector<16xi32> to vector<16x1xi32>
    %gather3A_418 = vector.shape_cast %broadcast_in_dim3A_417 : vector<16x1xi32> to vector<16xi32>
    %gather3A_419 = tpu.dynamic_gather %get3A_199[%gather3A_418] in [0] : vector<16xf32>, vector<16xi32> -> vector<16xf32>
    %swap3A_420 = arith.constant 240 : index
    %swap3A_421 = tpu.vector_load %arg12[%swap3A_420] {strides = array<i32>} : memref<1232xf32, #tpu.memory_space<vmem>>, vector<16xf32>,
    tpu.vector_store %arg12[%swap3A_420], %gather3A_419 {strides = array<i32>} : memref<1232xf32, #tpu.memory_space<vmem>>, vector<16xf32>,
    %lt3A_422 = arith.constant 0 : i32
    %lt3A_423 = vector.broadcast %lt3A_422 : i32 to vector<16xi32>
    %lt3A_424 = arith.cmpi slt, %broadcast_in_dim3A_151, %lt3A_423 : vector<16xi32>
    %add3A_425 = arith.constant 16 : i32
    %add3A_426 = vector.broadcast %add3A_425 : i32 to vector<16xi32>
    %add3A_427 = arith.addi %broadcast_in_dim3A_151, %add3A_426 : vector<16xi32>
    %select_n3A_428 = arith.select %lt3A_424, %add3A_427, %broadcast_in_dim3A_151 : vector<16xi1>, vector<16xi32>
    %broadcast_in_dim3A_429 = vector.shape_cast %select_n3A_428 : vector<16xi32> to vector<16x1xi32>
    %gather3A_430 = vector.shape_cast %broadcast_in_dim3A_429 : vector<16x1xi32> to vector<16xi32>
    %gather3A_431 = tpu.dynamic_gather %get3A_199[%gather3A_430] in [0] : vector<16xf32>, vector<16xi32> -> vector<16xf32>
    %swap3A_432 = arith.constant 256 : index
    %swap3A_433 = tpu.vector_load %arg12[%swap3A_432] {strides = array<i32>} : memref<1232xf32, #tpu.memory_space<vmem>>, vector<16xf32>,
    tpu.vector_store %arg12[%swap3A_432], %gather3A_431 {strides = array<i32>} : memref<1232xf32, #tpu.memory_space<vmem>>, vector<16xf32>,
    %lt3A_434 = arith.constant 0 : i32
    %lt3A_435 = vector.broadcast %lt3A_434 : i32 to vector<16xi32>
    %lt3A_436 = arith.cmpi slt, %broadcast_in_dim3A_153, %lt3A_435 : vector<16xi32>
    %add3A_437 = arith.constant 16 : i32
    %add3A_438 = vector.broadcast %add3A_437 : i32 to vector<16xi32>
    %add3A_439 = arith.addi %broadcast_in_dim3A_153, %add3A_438 : vector<16xi32>
    %select_n3A_440 = arith.select %lt3A_436, %add3A_439, %broadcast_in_dim3A_153 : vector<16xi1>, vector<16xi32>
    %broadcast_in_dim3A_441 = vector.shape_cast %select_n3A_440 : vector<16xi32> to vector<16x1xi32>
    %gather3A_442 = vector.shape_cast %broadcast_in_dim3A_441 : vector<16x1xi32> to vector<16xi32>
    %gather3A_443 = tpu.dynamic_gather %get3A_199[%gather3A_442] in [0] : vector<16xf32>, vector<16xi32> -> vector<16xf32>
    %swap3A_444 = arith.constant 272 : index
    %swap3A_445 = tpu.vector_load %arg12[%swap3A_444] {strides = array<i32>} : memref<1232xf32, #tpu.memory_space<vmem>>, vector<16xf32>,
    tpu.vector_store %arg12[%swap3A_444], %gather3A_443 {strides = array<i32>} : memref<1232xf32, #tpu.memory_space<vmem>>, vector<16xf32>,
    %lt3A_446 = arith.constant 0 : i32
    %lt3A_447 = vector.broadcast %lt3A_446 : i32 to vector<16xi32>
    %lt3A_448 = arith.cmpi slt, %broadcast_in_dim3A_147, %lt3A_447 : vector<16xi32>
    %add3A_449 = arith.constant 16 : i32
    %add3A_450 = vector.broadcast %add3A_449 : i32 to vector<16xi32>
    %add3A_451 = arith.addi %broadcast_in_dim3A_147, %add3A_450 : vector<16xi32>
    %select_n3A_452 = arith.select %lt3A_448, %add3A_451, %broadcast_in_dim3A_147 : vector<16xi1>, vector<16xi32>
    %broadcast_in_dim3A_453 = vector.shape_cast %select_n3A_452 : vector<16xi32> to vector<16x1xi32>
    %gather3A_454 = vector.shape_cast %broadcast_in_dim3A_453 : vector<16x1xi32> to vector<16xi32>
    %gather3A_455 = tpu.dynamic_gather %get3A_207[%gather3A_454] in [0] : vector<16xf32>, vector<16xi32> -> vector<16xf32>
    %swap3A_456 = arith.constant 1024 : index
    %swap3A_457 = tpu.vector_load %arg12[%swap3A_456] {strides = array<i32>} : memref<1232xf32, #tpu.memory_space<vmem>>, vector<16xf32>,
    tpu.vector_store %arg12[%swap3A_456], %gather3A_455 {strides = array<i32>} : memref<1232xf32, #tpu.memory_space<vmem>>, vector<16xf32>,
    %lt3A_458 = arith.constant 0 : i32
    %lt3A_459 = vector.broadcast %lt3A_458 : i32 to vector<16xi32>
    %lt3A_460 = arith.cmpi slt, %broadcast_in_dim3A_147, %lt3A_459 : vector<16xi32>
    %add3A_461 = arith.constant 16 : i32
    %add3A_462 = vector.broadcast %add3A_461 : i32 to vector<16xi32>
    %add3A_463 = arith.addi %broadcast_in_dim3A_147, %add3A_462 : vector<16xi32>
    %select_n3A_464 = arith.select %lt3A_460, %add3A_463, %broadcast_in_dim3A_147 : vector<16xi1>, vector<16xi32>
    %broadcast_in_dim3A_465 = vector.shape_cast %select_n3A_464 : vector<16xi32> to vector<16x1xi32>
    %gather3A_466 = vector.shape_cast %broadcast_in_dim3A_465 : vector<16x1xi32> to vector<16xi32>
    %gather3A_467 = tpu.dynamic_gather %get3A_209[%gather3A_466] in [0] : vector<16xf32>, vector<16xi32> -> vector<16xf32>
    %swap3A_468 = arith.constant 1136 : index
    %swap3A_469 = tpu.vector_load %arg12[%swap3A_468] {strides = array<i32>} : memref<1232xf32, #tpu.memory_space<vmem>>, vector<16xf32>,
    tpu.vector_store %arg12[%swap3A_468], %gather3A_467 {strides = array<i32>} : memref<1232xf32, #tpu.memory_space<vmem>>, vector<16xf32>,
    %lt3A_470 = arith.constant 0 : i32
    %lt3A_471 = vector.broadcast %lt3A_470 : i32 to vector<16xi32>
    %lt3A_472 = arith.cmpi slt, %broadcast_in_dim3A_159, %lt3A_471 : vector<16xi32>
    %add3A_473 = arith.constant 16 : i32
    %add3A_474 = vector.broadcast %add3A_473 : i32 to vector<16xi32>
    %add3A_475 = arith.addi %broadcast_in_dim3A_159, %add3A_474 : vector<16xi32>
    %select_n3A_476 = arith.select %lt3A_472, %add3A_475, %broadcast_in_dim3A_159 : vector<16xi1>, vector<16xi32>
    %broadcast_in_dim3A_477 = vector.shape_cast %select_n3A_476 : vector<16xi32> to vector<16x1xi32>
    %gather3A_478 = vector.shape_cast %broadcast_in_dim3A_477 : vector<16x1xi32> to vector<16xi32>
    %gather3A_479 = tpu.dynamic_gather %get3A_199[%gather3A_478] in [0] : vector<16xf32>, vector<16xi32> -> vector<16xf32>
    %swap3A_480 = arith.constant 288 : index
    %swap3A_481 = tpu.vector_load %arg12[%swap3A_480] {strides = array<i32>} : memref<1232xf32, #tpu.memory_space<vmem>>, vector<16xf32>,
    tpu.vector_store %arg12[%swap3A_480], %gather3A_479 {strides = array<i32>} : memref<1232xf32, #tpu.memory_space<vmem>>, vector<16xf32>,
    %lt3A_482 = arith.constant 0 : i32
    %lt3A_483 = vector.broadcast %lt3A_482 : i32 to vector<16xi32>
    %lt3A_484 = arith.cmpi slt, %broadcast_in_dim3A_161, %lt3A_483 : vector<16xi32>
    %add3A_485 = arith.constant 16 : i32
    %add3A_486 = vector.broadcast %add3A_485 : i32 to vector<16xi32>
    %add3A_487 = arith.addi %broadcast_in_dim3A_161, %add3A_486 : vector<16xi32>
    %select_n3A_488 = arith.select %lt3A_484, %add3A_487, %broadcast_in_dim3A_161 : vector<16xi1>, vector<16xi32>
    %broadcast_in_dim3A_489 = vector.shape_cast %select_n3A_488 : vector<16xi32> to vector<16x1xi32>
    %gather3A_490 = vector.shape_cast %broadcast_in_dim3A_489 : vector<16x1xi32> to vector<16xi32>
    %gather3A_491 = tpu.dynamic_gather %get3A_199[%gather3A_490] in [0] : vector<16xf32>, vector<16xi32> -> vector<16xf32>
    %swap3A_492 = arith.constant 304 : index
    %swap3A_493 = tpu.vector_load %arg12[%swap3A_492] {strides = array<i32>} : memref<1232xf32, #tpu.memory_space<vmem>>, vector<16xf32>,
    tpu.vector_store %arg12[%swap3A_492], %gather3A_491 {strides = array<i32>} : memref<1232xf32, #tpu.memory_space<vmem>>, vector<16xf32>,
    %lt3A_494 = arith.constant 0 : i32
    %lt3A_495 = vector.broadcast %lt3A_494 : i32 to vector<16xi32>
    %lt3A_496 = arith.cmpi slt, %broadcast_in_dim3A_163, %lt3A_495 : vector<16xi32>
    %add3A_497 = arith.constant 16 : i32
    %add3A_498 = vector.broadcast %add3A_497 : i32 to vector<16xi32>
    %add3A_499 = arith.addi %broadcast_in_dim3A_163, %add3A_498 : vector<16xi32>
    %select_n3A_500 = arith.select %lt3A_496, %add3A_499, %broadcast_in_dim3A_163 : vector<16xi1>, vector<16xi32>
    %broadcast_in_dim3A_501 = vector.shape_cast %select_n3A_500 : vector<16xi32> to vector<16x1xi32>
    %gather3A_502 = vector.shape_cast %broadcast_in_dim3A_501 : vector<16x1xi32> to vector<16xi32>
    %gather3A_503 = tpu.dynamic_gather %get3A_199[%gather3A_502] in [0] : vector<16xf32>, vector<16xi32> -> vector<16xf32>
    %swap3A_504 = arith.constant 320 : index
    %swap3A_505 = tpu.vector_load %arg12[%swap3A_504] {strides = array<i32>} : memref<1232xf32, #tpu.memory_space<vmem>>, vector<16xf32>,
    tpu.vector_store %arg12[%swap3A_504], %gather3A_503 {strides = array<i32>} : memref<1232xf32, #tpu.memory_space<vmem>>, vector<16xf32>,
    %lt3A_506 = arith.constant 0 : i32
    %lt3A_507 = vector.broadcast %lt3A_506 : i32 to vector<16xi32>
    %lt3A_508 = arith.cmpi slt, %broadcast_in_dim3A_165, %lt3A_507 : vector<16xi32>
    %add3A_509 = arith.constant 16 : i32
    %add3A_510 = vector.broadcast %add3A_509 : i32 to vector<16xi32>
    %add3A_511 = arith.addi %broadcast_in_dim3A_165, %add3A_510 : vector<16xi32>
    %select_n3A_512 = arith.select %lt3A_508, %add3A_511, %broadcast_in_dim3A_165 : vector<16xi1>, vector<16xi32>
    %broadcast_in_dim3A_513 = vector.shape_cast %select_n3A_512 : vector<16xi32> to vector<16x1xi32>
    %gather3A_514 = vector.shape_cast %broadcast_in_dim3A_513 : vector<16x1xi32> to vector<16xi32>
    %gather3A_515 = tpu.dynamic_gather %get3A_199[%gather3A_514] in [0] : vector<16xf32>, vector<16xi32> -> vector<16xf32>
    %swap3A_516 = arith.constant 336 : index
    %swap3A_517 = tpu.vector_load %arg12[%swap3A_516] {strides = array<i32>} : memref<1232xf32, #tpu.memory_space<vmem>>, vector<16xf32>,
    tpu.vector_store %arg12[%swap3A_516], %gather3A_515 {strides = array<i32>} : memref<1232xf32, #tpu.memory_space<vmem>>, vector<16xf32>,
    %lt3A_518 = arith.constant 0 : i32
    %lt3A_519 = vector.broadcast %lt3A_518 : i32 to vector<16xi32>
    %lt3A_520 = arith.cmpi slt, %broadcast_in_dim3A_167, %lt3A_519 : vector<16xi32>
    %add3A_521 = arith.constant 16 : i32
    %add3A_522 = vector.broadcast %add3A_521 : i32 to vector<16xi32>
    %add3A_523 = arith.addi %broadcast_in_dim3A_167, %add3A_522 : vector<16xi32>
    %select_n3A_524 = arith.select %lt3A_520, %add3A_523, %broadcast_in_dim3A_167 : vector<16xi1>, vector<16xi32>
    %broadcast_in_dim3A_525 = vector.shape_cast %select_n3A_524 : vector<16xi32> to vector<16x1xi32>
    %gather3A_526 = vector.shape_cast %broadcast_in_dim3A_525 : vector<16x1xi32> to vector<16xi32>
    %gather3A_527 = tpu.dynamic_gather %get3A_199[%gather3A_526] in [0] : vector<16xf32>, vector<16xi32> -> vector<16xf32>
    %swap3A_528 = arith.constant 352 : index
    %swap3A_529 = tpu.vector_load %arg12[%swap3A_528] {strides = array<i32>} : memref<1232xf32, #tpu.memory_space<vmem>>, vector<16xf32>,
    tpu.vector_store %arg12[%swap3A_528], %gather3A_527 {strides = array<i32>} : memref<1232xf32, #tpu.memory_space<vmem>>, vector<16xf32>,
    %lt3A_530 = arith.constant 0 : i32
    %lt3A_531 = vector.broadcast %lt3A_530 : i32 to vector<16xi32>
    %lt3A_532 = arith.cmpi slt, %broadcast_in_dim3A_169, %lt3A_531 : vector<16xi32>
    %add3A_533 = arith.constant 16 : i32
    %add3A_534 = vector.broadcast %add3A_533 : i32 to vector<16xi32>
    %add3A_535 = arith.addi %broadcast_in_dim3A_169, %add3A_534 : vector<16xi32>
    %select_n3A_536 = arith.select %lt3A_532, %add3A_535, %broadcast_in_dim3A_169 : vector<16xi1>, vector<16xi32>
    %broadcast_in_dim3A_537 = vector.shape_cast %select_n3A_536 : vector<16xi32> to vector<16x1xi32>
    %gather3A_538 = vector.shape_cast %broadcast_in_dim3A_537 : vector<16x1xi32> to vector<16xi32>
    %gather3A_539 = tpu.dynamic_gather %get3A_199[%gather3A_538] in [0] : vector<16xf32>, vector<16xi32> -> vector<16xf32>
    %swap3A_540 = arith.constant 368 : index
    %swap3A_541 = tpu.vector_load %arg12[%swap3A_540] {strides = array<i32>} : memref<1232xf32, #tpu.memory_space<vmem>>, vector<16xf32>,
    tpu.vector_store %arg12[%swap3A_540], %gather3A_539 {strides = array<i32>} : memref<1232xf32, #tpu.memory_space<vmem>>, vector<16xf32>,
    %lt3A_542 = arith.constant 0 : i32
    %lt3A_543 = vector.broadcast %lt3A_542 : i32 to vector<16xi32>
    %lt3A_544 = arith.cmpi slt, %broadcast_in_dim3A_171, %lt3A_543 : vector<16xi32>
    %add3A_545 = arith.constant 16 : i32
    %add3A_546 = vector.broadcast %add3A_545 : i32 to vector<16xi32>
    %add3A_547 = arith.addi %broadcast_in_dim3A_171, %add3A_546 : vector<16xi32>
    %select_n3A_548 = arith.select %lt3A_544, %add3A_547, %broadcast_in_dim3A_171 : vector<16xi1>, vector<16xi32>
    %broadcast_in_dim3A_549 = vector.shape_cast %select_n3A_548 : vector<16xi32> to vector<16x1xi32>
    %gather3A_550 = vector.shape_cast %broadcast_in_dim3A_549 : vector<16x1xi32> to vector<16xi32>
    %gather3A_551 = tpu.dynamic_gather %get3A_199[%gather3A_550] in [0] : vector<16xf32>, vector<16xi32> -> vector<16xf32>
    %swap3A_552 = arith.constant 384 : index
    %swap3A_553 = tpu.vector_load %arg12[%swap3A_552] {strides = array<i32>} : memref<1232xf32, #tpu.memory_space<vmem>>, vector<16xf32>,
    tpu.vector_store %arg12[%swap3A_552], %gather3A_551 {strides = array<i32>} : memref<1232xf32, #tpu.memory_space<vmem>>, vector<16xf32>,
    %lt3A_554 = arith.constant 0 : i32
    %lt3A_555 = vector.broadcast %lt3A_554 : i32 to vector<16xi32>
    %lt3A_556 = arith.cmpi slt, %broadcast_in_dim3A_173, %lt3A_555 : vector<16xi32>
    %add3A_557 = arith.constant 16 : i32
    %add3A_558 = vector.broadcast %add3A_557 : i32 to vector<16xi32>
    %add3A_559 = arith.addi %broadcast_in_dim3A_173, %add3A_558 : vector<16xi32>
    %select_n3A_560 = arith.select %lt3A_556, %add3A_559, %broadcast_in_dim3A_173 : vector<16xi1>, vector<16xi32>
    %broadcast_in_dim3A_561 = vector.shape_cast %select_n3A_560 : vector<16xi32> to vector<16x1xi32>
    %gather3A_562 = vector.shape_cast %broadcast_in_dim3A_561 : vector<16x1xi32> to vector<16xi32>
    %gather3A_563 = tpu.dynamic_gather %get3A_199[%gather3A_562] in [0] : vector<16xf32>, vector<16xi32> -> vector<16xf32>
    %swap3A_564 = arith.constant 400 : index
    %swap3A_565 = tpu.vector_load %arg12[%swap3A_564] {strides = array<i32>} : memref<1232xf32, #tpu.memory_space<vmem>>, vector<16xf32>,
    tpu.vector_store %arg12[%swap3A_564], %gather3A_563 {strides = array<i32>} : memref<1232xf32, #tpu.memory_space<vmem>>, vector<16xf32>,
    %lt3A_566 = arith.constant 0 : i32
    %lt3A_567 = vector.broadcast %lt3A_566 : i32 to vector<16xi32>
    %lt3A_568 = arith.cmpi slt, %broadcast_in_dim3A_175, %lt3A_567 : vector<16xi32>
    %add3A_569 = arith.constant 16 : i32
    %add3A_570 = vector.broadcast %add3A_569 : i32 to vector<16xi32>
    %add3A_571 = arith.addi %broadcast_in_dim3A_175, %add3A_570 : vector<16xi32>
    %select_n3A_572 = arith.select %lt3A_568, %add3A_571, %broadcast_in_dim3A_175 : vector<16xi1>, vector<16xi32>
    %broadcast_in_dim3A_573 = vector.shape_cast %select_n3A_572 : vector<16xi32> to vector<16x1xi32>
    %gather3A_574 = vector.shape_cast %broadcast_in_dim3A_573 : vector<16x1xi32> to vector<16xi32>
    %gather3A_575 = tpu.dynamic_gather %get3A_199[%gather3A_574] in [0] : vector<16xf32>, vector<16xi32> -> vector<16xf32>
    %swap3A_576 = arith.constant 416 : index
    %swap3A_577 = tpu.vector_load %arg12[%swap3A_576] {strides = array<i32>} : memref<1232xf32, #tpu.memory_space<vmem>>, vector<16xf32>,
    tpu.vector_store %arg12[%swap3A_576], %gather3A_575 {strides = array<i32>} : memref<1232xf32, #tpu.memory_space<vmem>>, vector<16xf32>,
    %lt3A_578 = arith.constant 0 : i32
    %lt3A_579 = vector.broadcast %lt3A_578 : i32 to vector<16xi32>
    %lt3A_580 = arith.cmpi slt, %broadcast_in_dim3A_149, %lt3A_579 : vector<16xi32>
    %add3A_581 = arith.constant 16 : i32
    %add3A_582 = vector.broadcast %add3A_581 : i32 to vector<16xi32>
    %add3A_583 = arith.addi %broadcast_in_dim3A_149, %add3A_582 : vector<16xi32>
    %select_n3A_584 = arith.select %lt3A_580, %add3A_583, %broadcast_in_dim3A_149 : vector<16xi1>, vector<16xi32>
    %broadcast_in_dim3A_585 = vector.shape_cast %select_n3A_584 : vector<16xi32> to vector<16x1xi32>
    %gather3A_586 = vector.shape_cast %broadcast_in_dim3A_585 : vector<16x1xi32> to vector<16xi32>
    %gather3A_587 = tpu.dynamic_gather %get3A_207[%gather3A_586] in [0] : vector<16xf32>, vector<16xi32> -> vector<16xf32>
    %swap3A_588 = arith.constant 1040 : index
    %swap3A_589 = tpu.vector_load %arg12[%swap3A_588] {strides = array<i32>} : memref<1232xf32, #tpu.memory_space<vmem>>, vector<16xf32>,
    tpu.vector_store %arg12[%swap3A_588], %gather3A_587 {strides = array<i32>} : memref<1232xf32, #tpu.memory_space<vmem>>, vector<16xf32>,
    %lt3A_590 = arith.constant 0 : i32
    %lt3A_591 = vector.broadcast %lt3A_590 : i32 to vector<16xi32>
    %lt3A_592 = arith.cmpi slt, %broadcast_in_dim3A_149, %lt3A_591 : vector<16xi32>
    %add3A_593 = arith.constant 16 : i32
    %add3A_594 = vector.broadcast %add3A_593 : i32 to vector<16xi32>
    %add3A_595 = arith.addi %broadcast_in_dim3A_149, %add3A_594 : vector<16xi32>
    %select_n3A_596 = arith.select %lt3A_592, %add3A_595, %broadcast_in_dim3A_149 : vector<16xi1>, vector<16xi32>
    %broadcast_in_dim3A_597 = vector.shape_cast %select_n3A_596 : vector<16xi32> to vector<16x1xi32>
    %gather3A_598 = vector.shape_cast %broadcast_in_dim3A_597 : vector<16x1xi32> to vector<16xi32>
    %gather3A_599 = tpu.dynamic_gather %get3A_209[%gather3A_598] in [0] : vector<16xf32>, vector<16xi32> -> vector<16xf32>
    %swap3A_600 = arith.constant 1152 : index
    %swap3A_601 = tpu.vector_load %arg12[%swap3A_600] {strides = array<i32>} : memref<1232xf32, #tpu.memory_space<vmem>>, vector<16xf32>,
    tpu.vector_store %arg12[%swap3A_600], %gather3A_599 {strides = array<i32>} : memref<1232xf32, #tpu.memory_space<vmem>>, vector<16xf32>,
    %lt3A_602 = arith.constant 0 : i32
    %lt3A_603 = vector.broadcast %lt3A_602 : i32 to vector<16xi32>
    %lt3A_604 = arith.cmpi slt, %broadcast_in_dim3A_149, %lt3A_603 : vector<16xi32>
    %add3A_605 = arith.constant 16 : i32
    %add3A_606 = vector.broadcast %add3A_605 : i32 to vector<16xi32>
    %add3A_607 = arith.addi %broadcast_in_dim3A_149, %add3A_606 : vector<16xi32>
    %select_n3A_608 = arith.select %lt3A_604, %add3A_607, %broadcast_in_dim3A_149 : vector<16xi1>, vector<16xi32>
    %broadcast_in_dim3A_609 = vector.shape_cast %select_n3A_608 : vector<16xi32> to vector<16x1xi32>
    %gather3A_610 = vector.shape_cast %broadcast_in_dim3A_609 : vector<16x1xi32> to vector<16xi32>
    %gather3A_611 = tpu.dynamic_gather %get3A_201[%gather3A_610] in [0] : vector<16xf32>, vector<16xi32> -> vector<16xf32>
    %swap3A_612 = arith.constant 432 : index
    %swap3A_613 = tpu.vector_load %arg12[%swap3A_612] {strides = array<i32>} : memref<1232xf32, #tpu.memory_space<vmem>>, vector<16xf32>,
    tpu.vector_store %arg12[%swap3A_612], %gather3A_611 {strides = array<i32>} : memref<1232xf32, #tpu.memory_space<vmem>>, vector<16xf32>,
    %lt3A_614 = arith.constant 0 : i32
    %lt3A_615 = vector.broadcast %lt3A_614 : i32 to vector<16xi32>
    %lt3A_616 = arith.cmpi slt, %broadcast_in_dim3A_151, %lt3A_615 : vector<16xi32>
    %add3A_617 = arith.constant 16 : i32
    %add3A_618 = vector.broadcast %add3A_617 : i32 to vector<16xi32>
    %add3A_619 = arith.addi %broadcast_in_dim3A_151, %add3A_618 : vector<16xi32>
    %select_n3A_620 = arith.select %lt3A_616, %add3A_619, %broadcast_in_dim3A_151 : vector<16xi1>, vector<16xi32>
    %broadcast_in_dim3A_621 = vector.shape_cast %select_n3A_620 : vector<16xi32> to vector<16x1xi32>
    %gather3A_622 = vector.shape_cast %broadcast_in_dim3A_621 : vector<16x1xi32> to vector<16xi32>
    %gather3A_623 = tpu.dynamic_gather %get3A_201[%gather3A_622] in [0] : vector<16xf32>, vector<16xi32> -> vector<16xf32>
    %swap3A_624 = arith.constant 448 : index
    %swap3A_625 = tpu.vector_load %arg12[%swap3A_624] {strides = array<i32>} : memref<1232xf32, #tpu.memory_space<vmem>>, vector<16xf32>,
    tpu.vector_store %arg12[%swap3A_624], %gather3A_623 {strides = array<i32>} : memref<1232xf32, #tpu.memory_space<vmem>>, vector<16xf32>,
    %lt3A_626 = arith.constant 0 : i32
    %lt3A_627 = vector.broadcast %lt3A_626 : i32 to vector<16xi32>
    %lt3A_628 = arith.cmpi slt, %broadcast_in_dim3A_153, %lt3A_627 : vector<16xi32>
    %add3A_629 = arith.constant 16 : i32
    %add3A_630 = vector.broadcast %add3A_629 : i32 to vector<16xi32>
    %add3A_631 = arith.addi %broadcast_in_dim3A_153, %add3A_630 : vector<16xi32>
    %select_n3A_632 = arith.select %lt3A_628, %add3A_631, %broadcast_in_dim3A_153 : vector<16xi1>, vector<16xi32>
    %broadcast_in_dim3A_633 = vector.shape_cast %select_n3A_632 : vector<16xi32> to vector<16x1xi32>
    %gather3A_634 = vector.shape_cast %broadcast_in_dim3A_633 : vector<16x1xi32> to vector<16xi32>
    %gather3A_635 = tpu.dynamic_gather %get3A_201[%gather3A_634] in [0] : vector<16xf32>, vector<16xi32> -> vector<16xf32>
    %swap3A_636 = arith.constant 464 : index
    %swap3A_637 = tpu.vector_load %arg12[%swap3A_636] {strides = array<i32>} : memref<1232xf32, #tpu.memory_space<vmem>>, vector<16xf32>,
    tpu.vector_store %arg12[%swap3A_636], %gather3A_635 {strides = array<i32>} : memref<1232xf32, #tpu.memory_space<vmem>>, vector<16xf32>,
    %lt3A_638 = arith.constant 0 : i32
    %lt3A_639 = vector.broadcast %lt3A_638 : i32 to vector<16xi32>
    %lt3A_640 = arith.cmpi slt, %broadcast_in_dim3A_155, %lt3A_639 : vector<16xi32>
    %add3A_641 = arith.constant 16 : i32
    %add3A_642 = vector.broadcast %add3A_641 : i32 to vector<16xi32>
    %add3A_643 = arith.addi %broadcast_in_dim3A_155, %add3A_642 : vector<16xi32>
    %select_n3A_644 = arith.select %lt3A_640, %add3A_643, %broadcast_in_dim3A_155 : vector<16xi1>, vector<16xi32>
    %broadcast_in_dim3A_645 = vector.shape_cast %select_n3A_644 : vector<16xi32> to vector<16x1xi32>
    %gather3A_646 = vector.shape_cast %broadcast_in_dim3A_645 : vector<16x1xi32> to vector<16xi32>
    %gather3A_647 = tpu.dynamic_gather %get3A_201[%gather3A_646] in [0] : vector<16xf32>, vector<16xi32> -> vector<16xf32>
    %swap3A_648 = arith.constant 480 : index
    %swap3A_649 = tpu.vector_load %arg12[%swap3A_648] {strides = array<i32>} : memref<1232xf32, #tpu.memory_space<vmem>>, vector<16xf32>,
    tpu.vector_store %arg12[%swap3A_648], %gather3A_647 {strides = array<i32>} : memref<1232xf32, #tpu.memory_space<vmem>>, vector<16xf32>,
    %lt3A_650 = arith.constant 0 : i32
    %lt3A_651 = vector.broadcast %lt3A_650 : i32 to vector<16xi32>
    %lt3A_652 = arith.cmpi slt, %broadcast_in_dim3A_157, %lt3A_651 : vector<16xi32>
    %add3A_653 = arith.constant 16 : i32
    %add3A_654 = vector.broadcast %add3A_653 : i32 to vector<16xi32>
    %add3A_655 = arith.addi %broadcast_in_dim3A_157, %add3A_654 : vector<16xi32>
    %select_n3A_656 = arith.select %lt3A_652, %add3A_655, %broadcast_in_dim3A_157 : vector<16xi1>, vector<16xi32>
    %broadcast_in_dim3A_657 = vector.shape_cast %select_n3A_656 : vector<16xi32> to vector<16x1xi32>
    %gather3A_658 = vector.shape_cast %broadcast_in_dim3A_657 : vector<16x1xi32> to vector<16xi32>
    %gather3A_659 = tpu.dynamic_gather %get3A_201[%gather3A_658] in [0] : vector<16xf32>, vector<16xi32> -> vector<16xf32>
    %swap3A_660 = arith.constant 496 : index
    %swap3A_661 = tpu.vector_load %arg12[%swap3A_660] {strides = array<i32>} : memref<1232xf32, #tpu.memory_space<vmem>>, vector<16xf32>,
    tpu.vector_store %arg12[%swap3A_660], %gather3A_659 {strides = array<i32>} : memref<1232xf32, #tpu.memory_space<vmem>>, vector<16xf32>,
    %lt3A_662 = arith.constant 0 : i32
    %lt3A_663 = vector.broadcast %lt3A_662 : i32 to vector<16xi32>
    %lt3A_664 = arith.cmpi slt, %broadcast_in_dim3A_159, %lt3A_663 : vector<16xi32>
    %add3A_665 = arith.constant 16 : i32
    %add3A_666 = vector.broadcast %add3A_665 : i32 to vector<16xi32>
    %add3A_667 = arith.addi %broadcast_in_dim3A_159, %add3A_666 : vector<16xi32>
    %select_n3A_668 = arith.select %lt3A_664, %add3A_667, %broadcast_in_dim3A_159 : vector<16xi1>, vector<16xi32>
    %broadcast_in_dim3A_669 = vector.shape_cast %select_n3A_668 : vector<16xi32> to vector<16x1xi32>
    %gather3A_670 = vector.shape_cast %broadcast_in_dim3A_669 : vector<16x1xi32> to vector<16xi32>
    %gather3A_671 = tpu.dynamic_gather %get3A_201[%gather3A_670] in [0] : vector<16xf32>, vector<16xi32> -> vector<16xf32>
    %swap3A_672 = arith.constant 512 : index
    %swap3A_673 = tpu.vector_load %arg12[%swap3A_672] {strides = array<i32>} : memref<1232xf32, #tpu.memory_space<vmem>>, vector<16xf32>,
    tpu.vector_store %arg12[%swap3A_672], %gather3A_671 {strides = array<i32>} : memref<1232xf32, #tpu.memory_space<vmem>>, vector<16xf32>,
    %lt3A_674 = arith.constant 0 : i32
    %lt3A_675 = vector.broadcast %lt3A_674 : i32 to vector<16xi32>
    %lt3A_676 = arith.cmpi slt, %broadcast_in_dim3A_161, %lt3A_675 : vector<16xi32>
    %add3A_677 = arith.constant 16 : i32
    %add3A_678 = vector.broadcast %add3A_677 : i32 to vector<16xi32>
    %add3A_679 = arith.addi %broadcast_in_dim3A_161, %add3A_678 : vector<16xi32>
    %select_n3A_680 = arith.select %lt3A_676, %add3A_679, %broadcast_in_dim3A_161 : vector<16xi1>, vector<16xi32>
    %broadcast_in_dim3A_681 = vector.shape_cast %select_n3A_680 : vector<16xi32> to vector<16x1xi32>
    %gather3A_682 = vector.shape_cast %broadcast_in_dim3A_681 : vector<16x1xi32> to vector<16xi32>
    %gather3A_683 = tpu.dynamic_gather %get3A_201[%gather3A_682] in [0] : vector<16xf32>, vector<16xi32> -> vector<16xf32>
    %swap3A_684 = arith.constant 528 : index
    %swap3A_685 = tpu.vector_load %arg12[%swap3A_684] {strides = array<i32>} : memref<1232xf32, #tpu.memory_space<vmem>>, vector<16xf32>,
    tpu.vector_store %arg12[%swap3A_684], %gather3A_683 {strides = array<i32>} : memref<1232xf32, #tpu.memory_space<vmem>>, vector<16xf32>,
    %lt3A_686 = arith.constant 0 : i32
    %lt3A_687 = vector.broadcast %lt3A_686 : i32 to vector<16xi32>
    %lt3A_688 = arith.cmpi slt, %broadcast_in_dim3A_163, %lt3A_687 : vector<16xi32>
    %add3A_689 = arith.constant 16 : i32
    %add3A_690 = vector.broadcast %add3A_689 : i32 to vector<16xi32>
    %add3A_691 = arith.addi %broadcast_in_dim3A_163, %add3A_690 : vector<16xi32>
    %select_n3A_692 = arith.select %lt3A_688, %add3A_691, %broadcast_in_dim3A_163 : vector<16xi1>, vector<16xi32>
    %broadcast_in_dim3A_693 = vector.shape_cast %select_n3A_692 : vector<16xi32> to vector<16x1xi32>
    %gather3A_694 = vector.shape_cast %broadcast_in_dim3A_693 : vector<16x1xi32> to vector<16xi32>
    %gather3A_695 = tpu.dynamic_gather %get3A_201[%gather3A_694] in [0] : vector<16xf32>, vector<16xi32> -> vector<16xf32>
    %swap3A_696 = arith.constant 544 : index
    %swap3A_697 = tpu.vector_load %arg12[%swap3A_696] {strides = array<i32>} : memref<1232xf32, #tpu.memory_space<vmem>>, vector<16xf32>,
    tpu.vector_store %arg12[%swap3A_696], %gather3A_695 {strides = array<i32>} : memref<1232xf32, #tpu.memory_space<vmem>>, vector<16xf32>,
    %lt3A_698 = arith.constant 0 : i32
    %lt3A_699 = vector.broadcast %lt3A_698 : i32 to vector<16xi32>
    %lt3A_700 = arith.cmpi slt, %broadcast_in_dim3A_165, %lt3A_699 : vector<16xi32>
    %add3A_701 = arith.constant 16 : i32
    %add3A_702 = vector.broadcast %add3A_701 : i32 to vector<16xi32>
    %add3A_703 = arith.addi %broadcast_in_dim3A_165, %add3A_702 : vector<16xi32>
    %select_n3A_704 = arith.select %lt3A_700, %add3A_703, %broadcast_in_dim3A_165 : vector<16xi1>, vector<16xi32>
    %broadcast_in_dim3A_705 = vector.shape_cast %select_n3A_704 : vector<16xi32> to vector<16x1xi32>
    %gather3A_706 = vector.shape_cast %broadcast_in_dim3A_705 : vector<16x1xi32> to vector<16xi32>
    %gather3A_707 = tpu.dynamic_gather %get3A_201[%gather3A_706] in [0] : vector<16xf32>, vector<16xi32> -> vector<16xf32>
    %swap3A_708 = arith.constant 560 : index
    %swap3A_709 = tpu.vector_load %arg12[%swap3A_708] {strides = array<i32>} : memref<1232xf32, #tpu.memory_space<vmem>>, vector<16xf32>,
    tpu.vector_store %arg12[%swap3A_708], %gather3A_707 {strides = array<i32>} : memref<1232xf32, #tpu.memory_space<vmem>>, vector<16xf32>,
    %lt3A_710 = arith.constant 0 : i32
    %lt3A_711 = vector.broadcast %lt3A_710 : i32 to vector<16xi32>
    %lt3A_712 = arith.cmpi slt, %broadcast_in_dim3A_151, %lt3A_711 : vector<16xi32>
    %add3A_713 = arith.constant 16 : i32
    %add3A_714 = vector.broadcast %add3A_713 : i32 to vector<16xi32>
    %add3A_715 = arith.addi %broadcast_in_dim3A_151, %add3A_714 : vector<16xi32>
    %select_n3A_716 = arith.select %lt3A_712, %add3A_715, %broadcast_in_dim3A_151 : vector<16xi1>, vector<16xi32>
    %broadcast_in_dim3A_717 = vector.shape_cast %select_n3A_716 : vector<16xi32> to vector<16x1xi32>
    %gather3A_718 = vector.shape_cast %broadcast_in_dim3A_717 : vector<16x1xi32> to vector<16xi32>
    %gather3A_719 = tpu.dynamic_gather %get3A_207[%gather3A_718] in [0] : vector<16xf32>, vector<16xi32> -> vector<16xf32>
    %swap3A_720 = arith.constant 1056 : index
    %swap3A_721 = tpu.vector_load %arg12[%swap3A_720] {strides = array<i32>} : memref<1232xf32, #tpu.memory_space<vmem>>, vector<16xf32>,
    tpu.vector_store %arg12[%swap3A_720], %gather3A_719 {strides = array<i32>} : memref<1232xf32, #tpu.memory_space<vmem>>, vector<16xf32>,
    %lt3A_722 = arith.constant 0 : i32
    %lt3A_723 = vector.broadcast %lt3A_722 : i32 to vector<16xi32>
    %lt3A_724 = arith.cmpi slt, %broadcast_in_dim3A_151, %lt3A_723 : vector<16xi32>
    %add3A_725 = arith.constant 16 : i32
    %add3A_726 = vector.broadcast %add3A_725 : i32 to vector<16xi32>
    %add3A_727 = arith.addi %broadcast_in_dim3A_151, %add3A_726 : vector<16xi32>
    %select_n3A_728 = arith.select %lt3A_724, %add3A_727, %broadcast_in_dim3A_151 : vector<16xi1>, vector<16xi32>
    %broadcast_in_dim3A_729 = vector.shape_cast %select_n3A_728 : vector<16xi32> to vector<16x1xi32>
    %gather3A_730 = vector.shape_cast %broadcast_in_dim3A_729 : vector<16x1xi32> to vector<16xi32>
    %gather3A_731 = tpu.dynamic_gather %get3A_209[%gather3A_730] in [0] : vector<16xf32>, vector<16xi32> -> vector<16xf32>
    %swap3A_732 = arith.constant 1168 : index
    %swap3A_733 = tpu.vector_load %arg12[%swap3A_732] {strides = array<i32>} : memref<1232xf32, #tpu.memory_space<vmem>>, vector<16xf32>,
    tpu.vector_store %arg12[%swap3A_732], %gather3A_731 {strides = array<i32>} : memref<1232xf32, #tpu.memory_space<vmem>>, vector<16xf32>,
    %lt3A_734 = arith.constant 0 : i32
    %lt3A_735 = vector.broadcast %lt3A_734 : i32 to vector<16xi32>
    %lt3A_736 = arith.cmpi slt, %broadcast_in_dim3A_171, %lt3A_735 : vector<16xi32>
    %add3A_737 = arith.constant 16 : i32
    %add3A_738 = vector.broadcast %add3A_737 : i32 to vector<16xi32>
    %add3A_739 = arith.addi %broadcast_in_dim3A_171, %add3A_738 : vector<16xi32>
    %select_n3A_740 = arith.select %lt3A_736, %add3A_739, %broadcast_in_dim3A_171 : vector<16xi1>, vector<16xi32>
    %broadcast_in_dim3A_741 = vector.shape_cast %select_n3A_740 : vector<16xi32> to vector<16x1xi32>
    %gather3A_742 = vector.shape_cast %broadcast_in_dim3A_741 : vector<16x1xi32> to vector<16xi32>
    %gather3A_743 = tpu.dynamic_gather %get3A_201[%gather3A_742] in [0] : vector<16xf32>, vector<16xi32> -> vector<16xf32>
    %swap3A_744 = arith.constant 576 : index
    %swap3A_745 = tpu.vector_load %arg12[%swap3A_744] {strides = array<i32>} : memref<1232xf32, #tpu.memory_space<vmem>>, vector<16xf32>,
    tpu.vector_store %arg12[%swap3A_744], %gather3A_743 {strides = array<i32>} : memref<1232xf32, #tpu.memory_space<vmem>>, vector<16xf32>,
    %lt3A_746 = arith.constant 0 : i32
    %lt3A_747 = vector.broadcast %lt3A_746 : i32 to vector<16xi32>
    %lt3A_748 = arith.cmpi slt, %broadcast_in_dim3A_173, %lt3A_747 : vector<16xi32>
    %add3A_749 = arith.constant 16 : i32
    %add3A_750 = vector.broadcast %add3A_749 : i32 to vector<16xi32>
    %add3A_751 = arith.addi %broadcast_in_dim3A_173, %add3A_750 : vector<16xi32>
    %select_n3A_752 = arith.select %lt3A_748, %add3A_751, %broadcast_in_dim3A_173 : vector<16xi1>, vector<16xi32>
    %broadcast_in_dim3A_753 = vector.shape_cast %select_n3A_752 : vector<16xi32> to vector<16x1xi32>
    %gather3A_754 = vector.shape_cast %broadcast_in_dim3A_753 : vector<16x1xi32> to vector<16xi32>
    %gather3A_755 = tpu.dynamic_gather %get3A_201[%gather3A_754] in [0] : vector<16xf32>, vector<16xi32> -> vector<16xf32>
    %swap3A_756 = arith.constant 592 : index
    %swap3A_757 = tpu.vector_load %arg12[%swap3A_756] {strides = array<i32>} : memref<1232xf32, #tpu.memory_space<vmem>>, vector<16xf32>,
    tpu.vector_store %arg12[%swap3A_756], %gather3A_755 {strides = array<i32>} : memref<1232xf32, #tpu.memory_space<vmem>>, vector<16xf32>,
    %lt3A_758 = arith.constant 0 : i32
    %lt3A_759 = vector.broadcast %lt3A_758 : i32 to vector<16xi32>
    %lt3A_760 = arith.cmpi slt, %broadcast_in_dim3A_175, %lt3A_759 : vector<16xi32>
    %add3A_761 = arith.constant 16 : i32
    %add3A_762 = vector.broadcast %add3A_761 : i32 to vector<16xi32>
    %add3A_763 = arith.addi %broadcast_in_dim3A_175, %add3A_762 : vector<16xi32>
    %select_n3A_764 = arith.select %lt3A_760, %add3A_763, %broadcast_in_dim3A_175 : vector<16xi1>, vector<16xi32>
    %broadcast_in_dim3A_765 = vector.shape_cast %select_n3A_764 : vector<16xi32> to vector<16x1xi32>
    %gather3A_766 = vector.shape_cast %broadcast_in_dim3A_765 : vector<16x1xi32> to vector<16xi32>
    %gather3A_767 = tpu.dynamic_gather %get3A_201[%gather3A_766] in [0] : vector<16xf32>, vector<16xi32> -> vector<16xf32>
    %swap3A_768 = arith.constant 608 : index
    %swap3A_769 = tpu.vector_load %arg12[%swap3A_768] {strides = array<i32>} : memref<1232xf32, #tpu.memory_space<vmem>>, vector<16xf32>,
    tpu.vector_store %arg12[%swap3A_768], %gather3A_767 {strides = array<i32>} : memref<1232xf32, #tpu.memory_space<vmem>>, vector<16xf32>,
    %lt3A_770 = arith.constant 0 : i32
    %lt3A_771 = vector.broadcast %lt3A_770 : i32 to vector<16xi32>
    %lt3A_772 = arith.cmpi slt, %broadcast_in_dim3A_145, %lt3A_771 : vector<16xi32>
    %add3A_773 = arith.constant 16 : i32
    %add3A_774 = vector.broadcast %add3A_773 : i32 to vector<16xi32>
    %add3A_775 = arith.addi %broadcast_in_dim3A_145, %add3A_774 : vector<16xi32>
    %select_n3A_776 = arith.select %lt3A_772, %add3A_775, %broadcast_in_dim3A_145 : vector<16xi1>, vector<16xi32>
    %broadcast_in_dim3A_777 = vector.shape_cast %select_n3A_776 : vector<16xi32> to vector<16x1xi32>
    %gather3A_778 = vector.shape_cast %broadcast_in_dim3A_777 : vector<16x1xi32> to vector<16xi32>
    %gather3A_779 = tpu.dynamic_gather %get3A_203[%gather3A_778] in [0] : vector<16xf32>, vector<16xi32> -> vector<16xf32>
    %swap3A_780 = arith.constant 624 : index
    %swap3A_781 = tpu.vector_load %arg12[%swap3A_780] {strides = array<i32>} : memref<1232xf32, #tpu.memory_space<vmem>>, vector<16xf32>,
    tpu.vector_store %arg12[%swap3A_780], %gather3A_779 {strides = array<i32>} : memref<1232xf32, #tpu.memory_space<vmem>>, vector<16xf32>,
    %lt3A_782 = arith.constant 0 : i32
    %lt3A_783 = vector.broadcast %lt3A_782 : i32 to vector<16xi32>
    %lt3A_784 = arith.cmpi slt, %broadcast_in_dim3A_147, %lt3A_783 : vector<16xi32>
    %add3A_785 = arith.constant 16 : i32
    %add3A_786 = vector.broadcast %add3A_785 : i32 to vector<16xi32>
    %add3A_787 = arith.addi %broadcast_in_dim3A_147, %add3A_786 : vector<16xi32>
    %select_n3A_788 = arith.select %lt3A_784, %add3A_787, %broadcast_in_dim3A_147 : vector<16xi1>, vector<16xi32>
    %broadcast_in_dim3A_789 = vector.shape_cast %select_n3A_788 : vector<16xi32> to vector<16x1xi32>
    %gather3A_790 = vector.shape_cast %broadcast_in_dim3A_789 : vector<16x1xi32> to vector<16xi32>
    %gather3A_791 = tpu.dynamic_gather %get3A_203[%gather3A_790] in [0] : vector<16xf32>, vector<16xi32> -> vector<16xf32>
    %swap3A_792 = arith.constant 640 : index
    %swap3A_793 = tpu.vector_load %arg12[%swap3A_792] {strides = array<i32>} : memref<1232xf32, #tpu.memory_space<vmem>>, vector<16xf32>,
    tpu.vector_store %arg12[%swap3A_792], %gather3A_791 {strides = array<i32>} : memref<1232xf32, #tpu.memory_space<vmem>>, vector<16xf32>,
    %lt3A_794 = arith.constant 0 : i32
    %lt3A_795 = vector.broadcast %lt3A_794 : i32 to vector<16xi32>
    %lt3A_796 = arith.cmpi slt, %broadcast_in_dim3A_149, %lt3A_795 : vector<16xi32>
    %add3A_797 = arith.constant 16 : i32
    %add3A_798 = vector.broadcast %add3A_797 : i32 to vector<16xi32>
    %add3A_799 = arith.addi %broadcast_in_dim3A_149, %add3A_798 : vector<16xi32>
    %select_n3A_800 = arith.select %lt3A_796, %add3A_799, %broadcast_in_dim3A_149 : vector<16xi1>, vector<16xi32>
    %broadcast_in_dim3A_801 = vector.shape_cast %select_n3A_800 : vector<16xi32> to vector<16x1xi32>
    %gather3A_802 = vector.shape_cast %broadcast_in_dim3A_801 : vector<16x1xi32> to vector<16xi32>
    %gather3A_803 = tpu.dynamic_gather %get3A_203[%gather3A_802] in [0] : vector<16xf32>, vector<16xi32> -> vector<16xf32>
    %swap3A_804 = arith.constant 656 : index
    %swap3A_805 = tpu.vector_load %arg12[%swap3A_804] {strides = array<i32>} : memref<1232xf32, #tpu.memory_space<vmem>>, vector<16xf32>,
    tpu.vector_store %arg12[%swap3A_804], %gather3A_803 {strides = array<i32>} : memref<1232xf32, #tpu.memory_space<vmem>>, vector<16xf32>,
    %lt3A_806 = arith.constant 0 : i32
    %lt3A_807 = vector.broadcast %lt3A_806 : i32 to vector<16xi32>
    %lt3A_808 = arith.cmpi slt, %broadcast_in_dim3A_151, %lt3A_807 : vector<16xi32>
    %add3A_809 = arith.constant 16 : i32
    %add3A_810 = vector.broadcast %add3A_809 : i32 to vector<16xi32>
    %add3A_811 = arith.addi %broadcast_in_dim3A_151, %add3A_810 : vector<16xi32>
    %select_n3A_812 = arith.select %lt3A_808, %add3A_811, %broadcast_in_dim3A_151 : vector<16xi1>, vector<16xi32>
    %broadcast_in_dim3A_813 = vector.shape_cast %select_n3A_812 : vector<16xi32> to vector<16x1xi32>
    %gather3A_814 = vector.shape_cast %broadcast_in_dim3A_813 : vector<16x1xi32> to vector<16xi32>
    %gather3A_815 = tpu.dynamic_gather %get3A_203[%gather3A_814] in [0] : vector<16xf32>, vector<16xi32> -> vector<16xf32>
    %swap3A_816 = arith.constant 672 : index
    %swap3A_817 = tpu.vector_load %arg12[%swap3A_816] {strides = array<i32>} : memref<1232xf32, #tpu.memory_space<vmem>>, vector<16xf32>,
    tpu.vector_store %arg12[%swap3A_816], %gather3A_815 {strides = array<i32>} : memref<1232xf32, #tpu.memory_space<vmem>>, vector<16xf32>,
    %lt3A_818 = arith.constant 0 : i32
    %lt3A_819 = vector.broadcast %lt3A_818 : i32 to vector<16xi32>
    %lt3A_820 = arith.cmpi slt, %broadcast_in_dim3A_153, %lt3A_819 : vector<16xi32>
    %add3A_821 = arith.constant 16 : i32
    %add3A_822 = vector.broadcast %add3A_821 : i32 to vector<16xi32>
    %add3A_823 = arith.addi %broadcast_in_dim3A_153, %add3A_822 : vector<16xi32>
    %select_n3A_824 = arith.select %lt3A_820, %add3A_823, %broadcast_in_dim3A_153 : vector<16xi1>, vector<16xi32>
    %broadcast_in_dim3A_825 = vector.shape_cast %select_n3A_824 : vector<16xi32> to vector<16x1xi32>
    %gather3A_826 = vector.shape_cast %broadcast_in_dim3A_825 : vector<16x1xi32> to vector<16xi32>
    %gather3A_827 = tpu.dynamic_gather %get3A_203[%gather3A_826] in [0] : vector<16xf32>, vector<16xi32> -> vector<16xf32>
    %swap3A_828 = arith.constant 688 : index
    %swap3A_829 = tpu.vector_load %arg12[%swap3A_828] {strides = array<i32>} : memref<1232xf32, #tpu.memory_space<vmem>>, vector<16xf32>,
    tpu.vector_store %arg12[%swap3A_828], %gather3A_827 {strides = array<i32>} : memref<1232xf32, #tpu.memory_space<vmem>>, vector<16xf32>,
    %lt3A_830 = arith.constant 0 : i32
    %lt3A_831 = vector.broadcast %lt3A_830 : i32 to vector<16xi32>
    %lt3A_832 = arith.cmpi slt, %broadcast_in_dim3A_155, %lt3A_831 : vector<16xi32>
    %add3A_833 = arith.constant 16 : i32
    %add3A_834 = vector.broadcast %add3A_833 : i32 to vector<16xi32>
    %add3A_835 = arith.addi %broadcast_in_dim3A_155, %add3A_834 : vector<16xi32>
    %select_n3A_836 = arith.select %lt3A_832, %add3A_835, %broadcast_in_dim3A_155 : vector<16xi1>, vector<16xi32>
    %broadcast_in_dim3A_837 = vector.shape_cast %select_n3A_836 : vector<16xi32> to vector<16x1xi32>
    %gather3A_838 = vector.shape_cast %broadcast_in_dim3A_837 : vector<16x1xi32> to vector<16xi32>
    %gather3A_839 = tpu.dynamic_gather %get3A_203[%gather3A_838] in [0] : vector<16xf32>, vector<16xi32> -> vector<16xf32>
    %swap3A_840 = arith.constant 704 : index
    %swap3A_841 = tpu.vector_load %arg12[%swap3A_840] {strides = array<i32>} : memref<1232xf32, #tpu.memory_space<vmem>>, vector<16xf32>,
    tpu.vector_store %arg12[%swap3A_840], %gather3A_839 {strides = array<i32>} : memref<1232xf32, #tpu.memory_space<vmem>>, vector<16xf32>,
    %lt3A_842 = arith.constant 0 : i32
    %lt3A_843 = vector.broadcast %lt3A_842 : i32 to vector<16xi32>
    %lt3A_844 = arith.cmpi slt, %broadcast_in_dim3A_153, %lt3A_843 : vector<16xi32>
    %add3A_845 = arith.constant 16 : i32
    %add3A_846 = vector.broadcast %add3A_845 : i32 to vector<16xi32>
    %add3A_847 = arith.addi %broadcast_in_dim3A_153, %add3A_846 : vector<16xi32>
    %select_n3A_848 = arith.select %lt3A_844, %add3A_847, %broadcast_in_dim3A_153 : vector<16xi1>, vector<16xi32>
    %broadcast_in_dim3A_849 = vector.shape_cast %select_n3A_848 : vector<16xi32> to vector<16x1xi32>
    %gather3A_850 = vector.shape_cast %broadcast_in_dim3A_849 : vector<16x1xi32> to vector<16xi32>
    %gather3A_851 = tpu.dynamic_gather %get3A_207[%gather3A_850] in [0] : vector<16xf32>, vector<16xi32> -> vector<16xf32>
    %swap3A_852 = arith.constant 1072 : index
    %swap3A_853 = tpu.vector_load %arg12[%swap3A_852] {strides = array<i32>} : memref<1232xf32, #tpu.memory_space<vmem>>, vector<16xf32>,
    tpu.vector_store %arg12[%swap3A_852], %gather3A_851 {strides = array<i32>} : memref<1232xf32, #tpu.memory_space<vmem>>, vector<16xf32>,
    %lt3A_854 = arith.constant 0 : i32
    %lt3A_855 = vector.broadcast %lt3A_854 : i32 to vector<16xi32>
    %lt3A_856 = arith.cmpi slt, %broadcast_in_dim3A_153, %lt3A_855 : vector<16xi32>
    %add3A_857 = arith.constant 16 : i32
    %add3A_858 = vector.broadcast %add3A_857 : i32 to vector<16xi32>
    %add3A_859 = arith.addi %broadcast_in_dim3A_153, %add3A_858 : vector<16xi32>
    %select_n3A_860 = arith.select %lt3A_856, %add3A_859, %broadcast_in_dim3A_153 : vector<16xi1>, vector<16xi32>
    %broadcast_in_dim3A_861 = vector.shape_cast %select_n3A_860 : vector<16xi32> to vector<16x1xi32>
    %gather3A_862 = vector.shape_cast %broadcast_in_dim3A_861 : vector<16x1xi32> to vector<16xi32>
    %gather3A_863 = tpu.dynamic_gather %get3A_209[%gather3A_862] in [0] : vector<16xf32>, vector<16xi32> -> vector<16xf32>
    %swap3A_864 = arith.constant 1184 : index
    %swap3A_865 = tpu.vector_load %arg12[%swap3A_864] {strides = array<i32>} : memref<1232xf32, #tpu.memory_space<vmem>>, vector<16xf32>,
    tpu.vector_store %arg12[%swap3A_864], %gather3A_863 {strides = array<i32>} : memref<1232xf32, #tpu.memory_space<vmem>>, vector<16xf32>,
    %lt3A_866 = arith.constant 0 : i32
    %lt3A_867 = vector.broadcast %lt3A_866 : i32 to vector<16xi32>
    %lt3A_868 = arith.cmpi slt, %broadcast_in_dim3A_161, %lt3A_867 : vector<16xi32>
    %add3A_869 = arith.constant 16 : i32
    %add3A_870 = vector.broadcast %add3A_869 : i32 to vector<16xi32>
    %add3A_871 = arith.addi %broadcast_in_dim3A_161, %add3A_870 : vector<16xi32>
    %select_n3A_872 = arith.select %lt3A_868, %add3A_871, %broadcast_in_dim3A_161 : vector<16xi1>, vector<16xi32>
    %broadcast_in_dim3A_873 = vector.shape_cast %select_n3A_872 : vector<16xi32> to vector<16x1xi32>
    %gather3A_874 = vector.shape_cast %broadcast_in_dim3A_873 : vector<16x1xi32> to vector<16xi32>
    %gather3A_875 = tpu.dynamic_gather %get3A_203[%gather3A_874] in [0] : vector<16xf32>, vector<16xi32> -> vector<16xf32>
    %swap3A_876 = arith.constant 720 : index
    %swap3A_877 = tpu.vector_load %arg12[%swap3A_876] {strides = array<i32>} : memref<1232xf32, #tpu.memory_space<vmem>>, vector<16xf32>,
    tpu.vector_store %arg12[%swap3A_876], %gather3A_875 {strides = array<i32>} : memref<1232xf32, #tpu.memory_space<vmem>>, vector<16xf32>,
    %lt3A_878 = arith.constant 0 : i32
    %lt3A_879 = vector.broadcast %lt3A_878 : i32 to vector<16xi32>
    %lt3A_880 = arith.cmpi slt, %broadcast_in_dim3A_163, %lt3A_879 : vector<16xi32>
    %add3A_881 = arith.constant 16 : i32
    %add3A_882 = vector.broadcast %add3A_881 : i32 to vector<16xi32>
    %add3A_883 = arith.addi %broadcast_in_dim3A_163, %add3A_882 : vector<16xi32>
    %select_n3A_884 = arith.select %lt3A_880, %add3A_883, %broadcast_in_dim3A_163 : vector<16xi1>, vector<16xi32>
    %broadcast_in_dim3A_885 = vector.shape_cast %select_n3A_884 : vector<16xi32> to vector<16x1xi32>
    %gather3A_886 = vector.shape_cast %broadcast_in_dim3A_885 : vector<16x1xi32> to vector<16xi32>
    %gather3A_887 = tpu.dynamic_gather %get3A_203[%gather3A_886] in [0] : vector<16xf32>, vector<16xi32> -> vector<16xf32>
    %swap3A_888 = arith.constant 736 : index
    %swap3A_889 = tpu.vector_load %arg12[%swap3A_888] {strides = array<i32>} : memref<1232xf32, #tpu.memory_space<vmem>>, vector<16xf32>,
    tpu.vector_store %arg12[%swap3A_888], %gather3A_887 {strides = array<i32>} : memref<1232xf32, #tpu.memory_space<vmem>>, vector<16xf32>,
    %lt3A_890 = arith.constant 0 : i32
    %lt3A_891 = vector.broadcast %lt3A_890 : i32 to vector<16xi32>
    %lt3A_892 = arith.cmpi slt, %broadcast_in_dim3A_165, %lt3A_891 : vector<16xi32>
    %add3A_893 = arith.constant 16 : i32
    %add3A_894 = vector.broadcast %add3A_893 : i32 to vector<16xi32>
    %add3A_895 = arith.addi %broadcast_in_dim3A_165, %add3A_894 : vector<16xi32>
    %select_n3A_896 = arith.select %lt3A_892, %add3A_895, %broadcast_in_dim3A_165 : vector<16xi1>, vector<16xi32>
    %broadcast_in_dim3A_897 = vector.shape_cast %select_n3A_896 : vector<16xi32> to vector<16x1xi32>
    %gather3A_898 = vector.shape_cast %broadcast_in_dim3A_897 : vector<16x1xi32> to vector<16xi32>
    %gather3A_899 = tpu.dynamic_gather %get3A_203[%gather3A_898] in [0] : vector<16xf32>, vector<16xi32> -> vector<16xf32>
    %swap3A_900 = arith.constant 752 : index
    %swap3A_901 = tpu.vector_load %arg12[%swap3A_900] {strides = array<i32>} : memref<1232xf32, #tpu.memory_space<vmem>>, vector<16xf32>,
    tpu.vector_store %arg12[%swap3A_900], %gather3A_899 {strides = array<i32>} : memref<1232xf32, #tpu.memory_space<vmem>>, vector<16xf32>,
    %lt3A_902 = arith.constant 0 : i32
    %lt3A_903 = vector.broadcast %lt3A_902 : i32 to vector<16xi32>
    %lt3A_904 = arith.cmpi slt, %broadcast_in_dim3A_167, %lt3A_903 : vector<16xi32>
    %add3A_905 = arith.constant 16 : i32
    %add3A_906 = vector.broadcast %add3A_905 : i32 to vector<16xi32>
    %add3A_907 = arith.addi %broadcast_in_dim3A_167, %add3A_906 : vector<16xi32>
    %select_n3A_908 = arith.select %lt3A_904, %add3A_907, %broadcast_in_dim3A_167 : vector<16xi1>, vector<16xi32>
    %broadcast_in_dim3A_909 = vector.shape_cast %select_n3A_908 : vector<16xi32> to vector<16x1xi32>
    %gather3A_910 = vector.shape_cast %broadcast_in_dim3A_909 : vector<16x1xi32> to vector<16xi32>
    %gather3A_911 = tpu.dynamic_gather %get3A_203[%gather3A_910] in [0] : vector<16xf32>, vector<16xi32> -> vector<16xf32>
    %swap3A_912 = arith.constant 768 : index
    %swap3A_913 = tpu.vector_load %arg12[%swap3A_912] {strides = array<i32>} : memref<1232xf32, #tpu.memory_space<vmem>>, vector<16xf32>,
    tpu.vector_store %arg12[%swap3A_912], %gather3A_911 {strides = array<i32>} : memref<1232xf32, #tpu.memory_space<vmem>>, vector<16xf32>,
    %lt3A_914 = arith.constant 0 : i32
    %lt3A_915 = vector.broadcast %lt3A_914 : i32 to vector<16xi32>
    %lt3A_916 = arith.cmpi slt, %broadcast_in_dim3A_169, %lt3A_915 : vector<16xi32>
    %add3A_917 = arith.constant 16 : i32
    %add3A_918 = vector.broadcast %add3A_917 : i32 to vector<16xi32>
    %add3A_919 = arith.addi %broadcast_in_dim3A_169, %add3A_918 : vector<16xi32>
    %select_n3A_920 = arith.select %lt3A_916, %add3A_919, %broadcast_in_dim3A_169 : vector<16xi1>, vector<16xi32>
    %broadcast_in_dim3A_921 = vector.shape_cast %select_n3A_920 : vector<16xi32> to vector<16x1xi32>
    %gather3A_922 = vector.shape_cast %broadcast_in_dim3A_921 : vector<16x1xi32> to vector<16xi32>
    %gather3A_923 = tpu.dynamic_gather %get3A_203[%gather3A_922] in [0] : vector<16xf32>, vector<16xi32> -> vector<16xf32>
    %swap3A_924 = arith.constant 784 : index
    %swap3A_925 = tpu.vector_load %arg12[%swap3A_924] {strides = array<i32>} : memref<1232xf32, #tpu.memory_space<vmem>>, vector<16xf32>,
    tpu.vector_store %arg12[%swap3A_924], %gather3A_923 {strides = array<i32>} : memref<1232xf32, #tpu.memory_space<vmem>>, vector<16xf32>,
    %lt3A_926 = arith.constant 0 : i32
    %lt3A_927 = vector.broadcast %lt3A_926 : i32 to vector<16xi32>
    %lt3A_928 = arith.cmpi slt, %broadcast_in_dim3A_171, %lt3A_927 : vector<16xi32>
    %add3A_929 = arith.constant 16 : i32
    %add3A_930 = vector.broadcast %add3A_929 : i32 to vector<16xi32>
    %add3A_931 = arith.addi %broadcast_in_dim3A_171, %add3A_930 : vector<16xi32>
    %select_n3A_932 = arith.select %lt3A_928, %add3A_931, %broadcast_in_dim3A_171 : vector<16xi1>, vector<16xi32>
    %broadcast_in_dim3A_933 = vector.shape_cast %select_n3A_932 : vector<16xi32> to vector<16x1xi32>
    %gather3A_934 = vector.shape_cast %broadcast_in_dim3A_933 : vector<16x1xi32> to vector<16xi32>
    %gather3A_935 = tpu.dynamic_gather %get3A_203[%gather3A_934] in [0] : vector<16xf32>, vector<16xi32> -> vector<16xf32>
    %swap3A_936 = arith.constant 800 : index
    %swap3A_937 = tpu.vector_load %arg12[%swap3A_936] {strides = array<i32>} : memref<1232xf32, #tpu.memory_space<vmem>>, vector<16xf32>,
    tpu.vector_store %arg12[%swap3A_936], %gather3A_935 {strides = array<i32>} : memref<1232xf32, #tpu.memory_space<vmem>>, vector<16xf32>,
    %lt3A_938 = arith.constant 0 : i32
    %lt3A_939 = vector.broadcast %lt3A_938 : i32 to vector<16xi32>
    %lt3A_940 = arith.cmpi slt, %broadcast_in_dim3A_173, %lt3A_939 : vector<16xi32>
    %add3A_941 = arith.constant 16 : i32
    %add3A_942 = vector.broadcast %add3A_941 : i32 to vector<16xi32>
    %add3A_943 = arith.addi %broadcast_in_dim3A_173, %add3A_942 : vector<16xi32>
    %select_n3A_944 = arith.select %lt3A_940, %add3A_943, %broadcast_in_dim3A_173 : vector<16xi1>, vector<16xi32>
    %broadcast_in_dim3A_945 = vector.shape_cast %select_n3A_944 : vector<16xi32> to vector<16x1xi32>
    %gather3A_946 = vector.shape_cast %broadcast_in_dim3A_945 : vector<16x1xi32> to vector<16xi32>
    %gather3A_947 = tpu.dynamic_gather %get3A_203[%gather3A_946] in [0] : vector<16xf32>, vector<16xi32> -> vector<16xf32>
    %swap3A_948 = arith.constant 816 : index
    %swap3A_949 = tpu.vector_load %arg12[%swap3A_948] {strides = array<i32>} : memref<1232xf32, #tpu.memory_space<vmem>>, vector<16xf32>,
    tpu.vector_store %arg12[%swap3A_948], %gather3A_947 {strides = array<i32>} : memref<1232xf32, #tpu.memory_space<vmem>>, vector<16xf32>,
    %lt3A_950 = arith.constant 0 : i32
    %lt3A_951 = vector.broadcast %lt3A_950 : i32 to vector<16xi32>
    %lt3A_952 = arith.cmpi slt, %broadcast_in_dim3A_175, %lt3A_951 : vector<16xi32>
    %add3A_953 = arith.constant 16 : i32
    %add3A_954 = vector.broadcast %add3A_953 : i32 to vector<16xi32>
    %add3A_955 = arith.addi %broadcast_in_dim3A_175, %add3A_954 : vector<16xi32>
    %select_n3A_956 = arith.select %lt3A_952, %add3A_955, %broadcast_in_dim3A_175 : vector<16xi1>, vector<16xi32>
    %broadcast_in_dim3A_957 = vector.shape_cast %select_n3A_956 : vector<16xi32> to vector<16x1xi32>
    %gather3A_958 = vector.shape_cast %broadcast_in_dim3A_957 : vector<16x1xi32> to vector<16xi32>
    %gather3A_959 = tpu.dynamic_gather %get3A_203[%gather3A_958] in [0] : vector<16xf32>, vector<16xi32> -> vector<16xf32>
    %swap3A_960 = arith.constant 832 : index
    %swap3A_961 = tpu.vector_load %arg12[%swap3A_960] {strides = array<i32>} : memref<1232xf32, #tpu.memory_space<vmem>>, vector<16xf32>,
    tpu.vector_store %arg12[%swap3A_960], %gather3A_959 {strides = array<i32>} : memref<1232xf32, #tpu.memory_space<vmem>>, vector<16xf32>,
    %lt3A_962 = arith.constant 0 : i32
    %lt3A_963 = vector.broadcast %lt3A_962 : i32 to vector<16xi32>
    %lt3A_964 = arith.cmpi slt, %broadcast_in_dim3A_145, %lt3A_963 : vector<16xi32>
    %add3A_965 = arith.constant 16 : i32
    %add3A_966 = vector.broadcast %add3A_965 : i32 to vector<16xi32>
    %add3A_967 = arith.addi %broadcast_in_dim3A_145, %add3A_966 : vector<16xi32>
    %select_n3A_968 = arith.select %lt3A_964, %add3A_967, %broadcast_in_dim3A_145 : vector<16xi1>, vector<16xi32>
    %broadcast_in_dim3A_969 = vector.shape_cast %select_n3A_968 : vector<16xi32> to vector<16x1xi32>
    %gather3A_970 = vector.shape_cast %broadcast_in_dim3A_969 : vector<16x1xi32> to vector<16xi32>
    %gather3A_971 = tpu.dynamic_gather %get3A_205[%gather3A_970] in [0] : vector<16xf32>, vector<16xi32> -> vector<16xf32>
    %swap3A_972 = arith.constant 848 : index
    %swap3A_973 = tpu.vector_load %arg12[%swap3A_972] {strides = array<i32>} : memref<1232xf32, #tpu.memory_space<vmem>>, vector<16xf32>,
    tpu.vector_store %arg12[%swap3A_972], %gather3A_971 {strides = array<i32>} : memref<1232xf32, #tpu.memory_space<vmem>>, vector<16xf32>,
    %lt3A_974 = arith.constant 0 : i32
    %lt3A_975 = vector.broadcast %lt3A_974 : i32 to vector<16xi32>
    %lt3A_976 = arith.cmpi slt, %broadcast_in_dim3A_155, %lt3A_975 : vector<16xi32>
    %add3A_977 = arith.constant 16 : i32
    %add3A_978 = vector.broadcast %add3A_977 : i32 to vector<16xi32>
    %add3A_979 = arith.addi %broadcast_in_dim3A_155, %add3A_978 : vector<16xi32>
    %select_n3A_980 = arith.select %lt3A_976, %add3A_979, %broadcast_in_dim3A_155 : vector<16xi1>, vector<16xi32>
    %broadcast_in_dim3A_981 = vector.shape_cast %select_n3A_980 : vector<16xi32> to vector<16x1xi32>
    %gather3A_982 = vector.shape_cast %broadcast_in_dim3A_981 : vector<16x1xi32> to vector<16xi32>
    %gather3A_983 = tpu.dynamic_gather %get3A_207[%gather3A_982] in [0] : vector<16xf32>, vector<16xi32> -> vector<16xf32>
    %swap3A_984 = arith.constant 1088 : index
    %swap3A_985 = tpu.vector_load %arg12[%swap3A_984] {strides = array<i32>} : memref<1232xf32, #tpu.memory_space<vmem>>, vector<16xf32>,
    tpu.vector_store %arg12[%swap3A_984], %gather3A_983 {strides = array<i32>} : memref<1232xf32, #tpu.memory_space<vmem>>, vector<16xf32>,
    %lt3A_986 = arith.constant 0 : i32
    %lt3A_987 = vector.broadcast %lt3A_986 : i32 to vector<16xi32>
    %lt3A_988 = arith.cmpi slt, %broadcast_in_dim3A_155, %lt3A_987 : vector<16xi32>
    %add3A_989 = arith.constant 16 : i32
    %add3A_990 = vector.broadcast %add3A_989 : i32 to vector<16xi32>
    %add3A_991 = arith.addi %broadcast_in_dim3A_155, %add3A_990 : vector<16xi32>
    %select_n3A_992 = arith.select %lt3A_988, %add3A_991, %broadcast_in_dim3A_155 : vector<16xi1>, vector<16xi32>
    %broadcast_in_dim3A_993 = vector.shape_cast %select_n3A_992 : vector<16xi32> to vector<16x1xi32>
    %gather3A_994 = vector.shape_cast %broadcast_in_dim3A_993 : vector<16x1xi32> to vector<16xi32>
    %gather3A_995 = tpu.dynamic_gather %get3A_209[%gather3A_994] in [0] : vector<16xf32>, vector<16xi32> -> vector<16xf32>
    %swap3A_996 = arith.constant 1200 : index
    %swap3A_997 = tpu.vector_load %arg12[%swap3A_996] {strides = array<i32>} : memref<1232xf32, #tpu.memory_space<vmem>>, vector<16xf32>,
    tpu.vector_store %arg12[%swap3A_996], %gather3A_995 {strides = array<i32>} : memref<1232xf32, #tpu.memory_space<vmem>>, vector<16xf32>,
    %lt3A_998 = arith.constant 0 : i32
    %lt3A_999 = vector.broadcast %lt3A_998 : i32 to vector<16xi32>
    %lt3A_1000 = arith.cmpi slt, %broadcast_in_dim3A_151, %lt3A_999 : vector<16xi32>
    %add3A_1001 = arith.constant 16 : i32
    %add3A_1002 = vector.broadcast %add3A_1001 : i32 to vector<16xi32>
    %add3A_1003 = arith.addi %broadcast_in_dim3A_151, %add3A_1002 : vector<16xi32>
    %select_n3A_1004 = arith.select %lt3A_1000, %add3A_1003, %broadcast_in_dim3A_151 : vector<16xi1>, vector<16xi32>
    %broadcast_in_dim3A_1005 = vector.shape_cast %select_n3A_1004 : vector<16xi32> to vector<16x1xi32>
    %gather3A_1006 = vector.shape_cast %broadcast_in_dim3A_1005 : vector<16x1xi32> to vector<16xi32>
    %gather3A_1007 = tpu.dynamic_gather %get3A_205[%gather3A_1006] in [0] : vector<16xf32>, vector<16xi32> -> vector<16xf32>
    %swap3A_1008 = arith.constant 864 : index
    %swap3A_1009 = tpu.vector_load %arg12[%swap3A_1008] {strides = array<i32>} : memref<1232xf32, #tpu.memory_space<vmem>>, vector<16xf32>,
    tpu.vector_store %arg12[%swap3A_1008], %gather3A_1007 {strides = array<i32>} : memref<1232xf32, #tpu.memory_space<vmem>>, vector<16xf32>,
    %lt3A_1010 = arith.constant 0 : i32
    %lt3A_1011 = vector.broadcast %lt3A_1010 : i32 to vector<16xi32>
    %lt3A_1012 = arith.cmpi slt, %broadcast_in_dim3A_153, %lt3A_1011 : vector<16xi32>
    %add3A_1013 = arith.constant 16 : i32
    %add3A_1014 = vector.broadcast %add3A_1013 : i32 to vector<16xi32>
    %add3A_1015 = arith.addi %broadcast_in_dim3A_153, %add3A_1014 : vector<16xi32>
    %select_n3A_1016 = arith.select %lt3A_1012, %add3A_1015, %broadcast_in_dim3A_153 : vector<16xi1>, vector<16xi32>
    %broadcast_in_dim3A_1017 = vector.shape_cast %select_n3A_1016 : vector<16xi32> to vector<16x1xi32>
    %gather3A_1018 = vector.shape_cast %broadcast_in_dim3A_1017 : vector<16x1xi32> to vector<16xi32>
    %gather3A_1019 = tpu.dynamic_gather %get3A_205[%gather3A_1018] in [0] : vector<16xf32>, vector<16xi32> -> vector<16xf32>
    %swap3A_1020 = arith.constant 880 : index
    %swap3A_1021 = tpu.vector_load %arg12[%swap3A_1020] {strides = array<i32>} : memref<1232xf32, #tpu.memory_space<vmem>>, vector<16xf32>,
    tpu.vector_store %arg12[%swap3A_1020], %gather3A_1019 {strides = array<i32>} : memref<1232xf32, #tpu.memory_space<vmem>>, vector<16xf32>,
    %lt3A_1022 = arith.constant 0 : i32
    %lt3A_1023 = vector.broadcast %lt3A_1022 : i32 to vector<16xi32>
    %lt3A_1024 = arith.cmpi slt, %broadcast_in_dim3A_155, %lt3A_1023 : vector<16xi32>
    %add3A_1025 = arith.constant 16 : i32
    %add3A_1026 = vector.broadcast %add3A_1025 : i32 to vector<16xi32>
    %add3A_1027 = arith.addi %broadcast_in_dim3A_155, %add3A_1026 : vector<16xi32>
    %select_n3A_1028 = arith.select %lt3A_1024, %add3A_1027, %broadcast_in_dim3A_155 : vector<16xi1>, vector<16xi32>
    %broadcast_in_dim3A_1029 = vector.shape_cast %select_n3A_1028 : vector<16xi32> to vector<16x1xi32>
    %gather3A_1030 = vector.shape_cast %broadcast_in_dim3A_1029 : vector<16x1xi32> to vector<16xi32>
    %gather3A_1031 = tpu.dynamic_gather %get3A_205[%gather3A_1030] in [0] : vector<16xf32>, vector<16xi32> -> vector<16xf32>
    %swap3A_1032 = arith.constant 896 : index
    %swap3A_1033 = tpu.vector_load %arg12[%swap3A_1032] {strides = array<i32>} : memref<1232xf32, #tpu.memory_space<vmem>>, vector<16xf32>,
    tpu.vector_store %arg12[%swap3A_1032], %gather3A_1031 {strides = array<i32>} : memref<1232xf32, #tpu.memory_space<vmem>>, vector<16xf32>,
    %lt3A_1034 = arith.constant 0 : i32
    %lt3A_1035 = vector.broadcast %lt3A_1034 : i32 to vector<16xi32>
    %lt3A_1036 = arith.cmpi slt, %broadcast_in_dim3A_157, %lt3A_1035 : vector<16xi32>
    %add3A_1037 = arith.constant 16 : i32
    %add3A_1038 = vector.broadcast %add3A_1037 : i32 to vector<16xi32>
    %add3A_1039 = arith.addi %broadcast_in_dim3A_157, %add3A_1038 : vector<16xi32>
    %select_n3A_1040 = arith.select %lt3A_1036, %add3A_1039, %broadcast_in_dim3A_157 : vector<16xi1>, vector<16xi32>
    %broadcast_in_dim3A_1041 = vector.shape_cast %select_n3A_1040 : vector<16xi32> to vector<16x1xi32>
    %gather3A_1042 = vector.shape_cast %broadcast_in_dim3A_1041 : vector<16x1xi32> to vector<16xi32>
    %gather3A_1043 = tpu.dynamic_gather %get3A_205[%gather3A_1042] in [0] : vector<16xf32>, vector<16xi32> -> vector<16xf32>
    %swap3A_1044 = arith.constant 912 : index
    %swap3A_1045 = tpu.vector_load %arg12[%swap3A_1044] {strides = array<i32>} : memref<1232xf32, #tpu.memory_space<vmem>>, vector<16xf32>,
    tpu.vector_store %arg12[%swap3A_1044], %gather3A_1043 {strides = array<i32>} : memref<1232xf32, #tpu.memory_space<vmem>>, vector<16xf32>,
    %lt3A_1046 = arith.constant 0 : i32
    %lt3A_1047 = vector.broadcast %lt3A_1046 : i32 to vector<16xi32>
    %lt3A_1048 = arith.cmpi slt, %broadcast_in_dim3A_159, %lt3A_1047 : vector<16xi32>
    %add3A_1049 = arith.constant 16 : i32
    %add3A_1050 = vector.broadcast %add3A_1049 : i32 to vector<16xi32>
    %add3A_1051 = arith.addi %broadcast_in_dim3A_159, %add3A_1050 : vector<16xi32>
    %select_n3A_1052 = arith.select %lt3A_1048, %add3A_1051, %broadcast_in_dim3A_159 : vector<16xi1>, vector<16xi32>
    %broadcast_in_dim3A_1053 = vector.shape_cast %select_n3A_1052 : vector<16xi32> to vector<16x1xi32>
    %gather3A_1054 = vector.shape_cast %broadcast_in_dim3A_1053 : vector<16x1xi32> to vector<16xi32>
    %gather3A_1055 = tpu.dynamic_gather %get3A_205[%gather3A_1054] in [0] : vector<16xf32>, vector<16xi32> -> vector<16xf32>
    %swap3A_1056 = arith.constant 928 : index
    %swap3A_1057 = tpu.vector_load %arg12[%swap3A_1056] {strides = array<i32>} : memref<1232xf32, #tpu.memory_space<vmem>>, vector<16xf32>,
    tpu.vector_store %arg12[%swap3A_1056], %gather3A_1055 {strides = array<i32>} : memref<1232xf32, #tpu.memory_space<vmem>>, vector<16xf32>,
    %lt3A_1058 = arith.constant 0 : i32
    %lt3A_1059 = vector.broadcast %lt3A_1058 : i32 to vector<16xi32>
    %lt3A_1060 = arith.cmpi slt, %broadcast_in_dim3A_161, %lt3A_1059 : vector<16xi32>
    %add3A_1061 = arith.constant 16 : i32
    %add3A_1062 = vector.broadcast %add3A_1061 : i32 to vector<16xi32>
    %add3A_1063 = arith.addi %broadcast_in_dim3A_161, %add3A_1062 : vector<16xi32>
    %select_n3A_1064 = arith.select %lt3A_1060, %add3A_1063, %broadcast_in_dim3A_161 : vector<16xi1>, vector<16xi32>
    %broadcast_in_dim3A_1065 = vector.shape_cast %select_n3A_1064 : vector<16xi32> to vector<16x1xi32>
    %gather3A_1066 = vector.shape_cast %broadcast_in_dim3A_1065 : vector<16x1xi32> to vector<16xi32>
    %gather3A_1067 = tpu.dynamic_gather %get3A_205[%gather3A_1066] in [0] : vector<16xf32>, vector<16xi32> -> vector<16xf32>
    %swap3A_1068 = arith.constant 944 : index
    %swap3A_1069 = tpu.vector_load %arg12[%swap3A_1068] {strides = array<i32>} : memref<1232xf32, #tpu.memory_space<vmem>>, vector<16xf32>,
    tpu.vector_store %arg12[%swap3A_1068], %gather3A_1067 {strides = array<i32>} : memref<1232xf32, #tpu.memory_space<vmem>>, vector<16xf32>,
    %lt3A_1070 = arith.constant 0 : i32
    %lt3A_1071 = vector.broadcast %lt3A_1070 : i32 to vector<16xi32>
    %lt3A_1072 = arith.cmpi slt, %broadcast_in_dim3A_163, %lt3A_1071 : vector<16xi32>
    %add3A_1073 = arith.constant 16 : i32
    %add3A_1074 = vector.broadcast %add3A_1073 : i32 to vector<16xi32>
    %add3A_1075 = arith.addi %broadcast_in_dim3A_163, %add3A_1074 : vector<16xi32>
    %select_n3A_1076 = arith.select %lt3A_1072, %add3A_1075, %broadcast_in_dim3A_163 : vector<16xi1>, vector<16xi32>
    %broadcast_in_dim3A_1077 = vector.shape_cast %select_n3A_1076 : vector<16xi32> to vector<16x1xi32>
    %gather3A_1078 = vector.shape_cast %broadcast_in_dim3A_1077 : vector<16x1xi32> to vector<16xi32>
    %gather3A_1079 = tpu.dynamic_gather %get3A_205[%gather3A_1078] in [0] : vector<16xf32>, vector<16xi32> -> vector<16xf32>
    %swap3A_1080 = arith.constant 960 : index
    %swap3A_1081 = tpu.vector_load %arg12[%swap3A_1080] {strides = array<i32>} : memref<1232xf32, #tpu.memory_space<vmem>>, vector<16xf32>,
    tpu.vector_store %arg12[%swap3A_1080], %gather3A_1079 {strides = array<i32>} : memref<1232xf32, #tpu.memory_space<vmem>>, vector<16xf32>,
    %lt3A_1082 = arith.constant 0 : i32
    %lt3A_1083 = vector.broadcast %lt3A_1082 : i32 to vector<16xi32>
    %lt3A_1084 = arith.cmpi slt, %broadcast_in_dim3A_165, %lt3A_1083 : vector<16xi32>
    %add3A_1085 = arith.constant 16 : i32
    %add3A_1086 = vector.broadcast %add3A_1085 : i32 to vector<16xi32>
    %add3A_1087 = arith.addi %broadcast_in_dim3A_165, %add3A_1086 : vector<16xi32>
    %select_n3A_1088 = arith.select %lt3A_1084, %add3A_1087, %broadcast_in_dim3A_165 : vector<16xi1>, vector<16xi32>
    %broadcast_in_dim3A_1089 = vector.shape_cast %select_n3A_1088 : vector<16xi32> to vector<16x1xi32>
    %gather3A_1090 = vector.shape_cast %broadcast_in_dim3A_1089 : vector<16x1xi32> to vector<16xi32>
    %gather3A_1091 = tpu.dynamic_gather %get3A_205[%gather3A_1090] in [0] : vector<16xf32>, vector<16xi32> -> vector<16xf32>
    %swap3A_1092 = arith.constant 976 : index
    %swap3A_1093 = tpu.vector_load %arg12[%swap3A_1092] {strides = array<i32>} : memref<1232xf32, #tpu.memory_space<vmem>>, vector<16xf32>,
    tpu.vector_store %arg12[%swap3A_1092], %gather3A_1091 {strides = array<i32>} : memref<1232xf32, #tpu.memory_space<vmem>>, vector<16xf32>,
    %lt3A_1094 = arith.constant 0 : i32
    %lt3A_1095 = vector.broadcast %lt3A_1094 : i32 to vector<16xi32>
    %lt3A_1096 = arith.cmpi slt, %broadcast_in_dim3A_167, %lt3A_1095 : vector<16xi32>
    %add3A_1097 = arith.constant 16 : i32
    %add3A_1098 = vector.broadcast %add3A_1097 : i32 to vector<16xi32>
    %add3A_1099 = arith.addi %broadcast_in_dim3A_167, %add3A_1098 : vector<16xi32>
    %select_n3A_1100 = arith.select %lt3A_1096, %add3A_1099, %broadcast_in_dim3A_167 : vector<16xi1>, vector<16xi32>
    %broadcast_in_dim3A_1101 = vector.shape_cast %select_n3A_1100 : vector<16xi32> to vector<16x1xi32>
    %gather3A_1102 = vector.shape_cast %broadcast_in_dim3A_1101 : vector<16x1xi32> to vector<16xi32>
    %gather3A_1103 = tpu.dynamic_gather %get3A_205[%gather3A_1102] in [0] : vector<16xf32>, vector<16xi32> -> vector<16xf32>
    %swap3A_1104 = arith.constant 992 : index
    %swap3A_1105 = tpu.vector_load %arg12[%swap3A_1104] {strides = array<i32>} : memref<1232xf32, #tpu.memory_space<vmem>>, vector<16xf32>,
    tpu.vector_store %arg12[%swap3A_1104], %gather3A_1103 {strides = array<i32>} : memref<1232xf32, #tpu.memory_space<vmem>>, vector<16xf32>,
    %lt3A_1106 = arith.constant 0 : i32
    %lt3A_1107 = vector.broadcast %lt3A_1106 : i32 to vector<16xi32>
    %lt3A_1108 = arith.cmpi slt, %broadcast_in_dim3A_157, %lt3A_1107 : vector<16xi32>
    %add3A_1109 = arith.constant 16 : i32
    %add3A_1110 = vector.broadcast %add3A_1109 : i32 to vector<16xi32>
    %add3A_1111 = arith.addi %broadcast_in_dim3A_157, %add3A_1110 : vector<16xi32>
    %select_n3A_1112 = arith.select %lt3A_1108, %add3A_1111, %broadcast_in_dim3A_157 : vector<16xi1>, vector<16xi32>
    %broadcast_in_dim3A_1113 = vector.shape_cast %select_n3A_1112 : vector<16xi32> to vector<16x1xi32>
    %gather3A_1114 = vector.shape_cast %broadcast_in_dim3A_1113 : vector<16x1xi32> to vector<16xi32>
    %gather3A_1115 = tpu.dynamic_gather %get3A_207[%gather3A_1114] in [0] : vector<16xf32>, vector<16xi32> -> vector<16xf32>
    %swap3A_1116 = arith.constant 1104 : index
    %swap3A_1117 = tpu.vector_load %arg12[%swap3A_1116] {strides = array<i32>} : memref<1232xf32, #tpu.memory_space<vmem>>, vector<16xf32>,
    tpu.vector_store %arg12[%swap3A_1116], %gather3A_1115 {strides = array<i32>} : memref<1232xf32, #tpu.memory_space<vmem>>, vector<16xf32>,
    %lt3A_1118 = arith.constant 0 : i32
    %lt3A_1119 = vector.broadcast %lt3A_1118 : i32 to vector<16xi32>
    %lt3A_1120 = arith.cmpi slt, %broadcast_in_dim3A_157, %lt3A_1119 : vector<16xi32>
    %add3A_1121 = arith.constant 16 : i32
    %add3A_1122 = vector.broadcast %add3A_1121 : i32 to vector<16xi32>
    %add3A_1123 = arith.addi %broadcast_in_dim3A_157, %add3A_1122 : vector<16xi32>
    %select_n3A_1124 = arith.select %lt3A_1120, %add3A_1123, %broadcast_in_dim3A_157 : vector<16xi1>, vector<16xi32>
    %broadcast_in_dim3A_1125 = vector.shape_cast %select_n3A_1124 : vector<16xi32> to vector<16x1xi32>
    %gather3A_1126 = vector.shape_cast %broadcast_in_dim3A_1125 : vector<16x1xi32> to vector<16xi32>
    %gather3A_1127 = tpu.dynamic_gather %get3A_209[%gather3A_1126] in [0] : vector<16xf32>, vector<16xi32> -> vector<16xf32>
    %swap3A_1128 = arith.constant 1216 : index
    %swap3A_1129 = tpu.vector_load %arg12[%swap3A_1128] {strides = array<i32>} : memref<1232xf32, #tpu.memory_space<vmem>>, vector<16xf32>,
    tpu.vector_store %arg12[%swap3A_1128], %gather3A_1127 {strides = array<i32>} : memref<1232xf32, #tpu.memory_space<vmem>>, vector<16xf32>,
    %scan3A = arith.constant 0 : i32
    %scan3A_1130 = arith.constant 0 : i32
    %scan3A_1131 = arith.constant 32 : i32
    %scan3A_1132 = arith.addi %scan3A_1130, %scan3A_1131 : i32
    %scan3A_1133 = arith.constant 1 : i32
    scf.for %scan3A_1143 = %scan3A_1130 to %scan3A_1132 step %scan3A_1133  : i32 {
      %mul3A_1144 = arith.constant 2048 : i32
      %mul3A_1145 = arith.muli %scan3A_1143, %mul3A_1144 : i32
      %scan3A_1146 = arith.constant 0 : i32
      %scan3A_1147 = arith.constant 0 : i32
      %scan3A_1148 = arith.constant 7 : i32
      %scan3A_1149 = arith.addi %scan3A_1147, %scan3A_1148 : i32
      %scan3A_1150 = arith.constant 1 : i32
      scf.for %scan3A_1159 = %scan3A_1147 to %scan3A_1149 step %scan3A_1150  : i32 {
        %mul3A_1160 = arith.constant 16 : i32
        %mul3A_1161 = arith.muli %scan3A_1159, %mul3A_1160 : i32
        %add3A_1162 = arith.constant 1008 : i32
        %add3A_1163 = arith.addi %add3A_1162, %mul3A_1161 : i32
        %get3A_1164 = arith.index_cast %add3A_1163 : i32 to index
        %get3A_1165 = tpu.vector_load %arg12[%get3A_1164] {strides = array<i32>} : memref<1232xf32, #tpu.memory_space<vmem>>, vector<16xf32>,
        %mul3A_1166 = arith.constant 16 : i32
        %mul3A_1167 = arith.muli %scan3A_1159, %mul3A_1166 : i32
        %add3A_1168 = arith.constant 1120 : i32
        %add3A_1169 = arith.addi %add3A_1168, %mul3A_1167 : i32
        %get3A_1170 = arith.index_cast %add3A_1169 : i32 to index
        %get3A_1171 = tpu.vector_load %arg12[%get3A_1170] {strides = array<i32>} : memref<1232xf32, #tpu.memory_space<vmem>>, vector<16xf32>,
        %mul3A_1172 = arith.constant 512 : i32
        %mul3A_1173 = arith.muli %scan3A_1159, %mul3A_1172 : i32
        %mul3A_1174 = arith.constant 16 : i32
        %mul3A_1175 = arith.muli %scan3A_1143, %mul3A_1174 : i32
        %add3A_1176 = arith.addi %mul3A_1173, %mul3A_1175 : i32
        %get3A_1177 = arith.index_cast %add3A_1176 : i32 to index
        %get3A_1178 = tpu.vector_load %arg8[%get3A_1177] {strides = array<i32>} : memref<3584xf32, #tpu.memory_space<vmem>>, vector<16xf32>,
        %sub3A = arith.subf %get3A_1178, %get3A_1165 : vector<16xf32>
        %add3A_1179 = arith.constant 9.99999993E-9 : f32
        %add3A_1180 = vector.broadcast %add3A_1179 : f32 to vector<16xf32>
        %add3A_1181 = arith.addf %get3A_1171, %add3A_1180 : vector<16xf32>
        %div3A = arith.divf %sub3A, %add3A_1181 : vector<16xf32>
        %mul3A_1182 = arith.constant 144 : i32
        %mul3A_1183 = arith.muli %scan3A_1159, %mul3A_1182 : i32
        %add3A_1184 = arith.constant 0 : i32
        %add3A_1185 = arith.addi %add3A_1184, %mul3A_1183 : i32
        %add3A_1186 = arith.constant 0 : i32
        %add3A_1187 = arith.addi %add3A_1185, %add3A_1186 : i32
        %get3A_1188 = arith.index_cast %add3A_1187 : i32 to index
        %get3A_1189 = tpu.vector_load %arg12[%get3A_1188] {strides = array<i32>} : memref<1232xf32, #tpu.memory_space<vmem>>, vector<16xf32>,
        %gt3A_1190 = arith.cmpf ogt, %div3A, %get3A_1189 : vector<16xf32>
        %convert_element_type3A_1191 = arith.extui %gt3A_1190 : vector<16xi1> to vector<16xi32>
        %mul3A_1192 = arith.constant 144 : i32
        %mul3A_1193 = arith.muli %scan3A_1159, %mul3A_1192 : i32
        %add3A_1194 = arith.constant 0 : i32
        %add3A_1195 = arith.addi %add3A_1194, %mul3A_1193 : i32
        %add3A_1196 = arith.constant 16 : i32
        %add3A_1197 = arith.addi %add3A_1195, %add3A_1196 : i32
        %get3A_1198 = arith.index_cast %add3A_1197 : i32 to index
        %get3A_1199 = tpu.vector_load %arg12[%get3A_1198] {strides = array<i32>} : memref<1232xf32, #tpu.memory_space<vmem>>, vector<16xf32>,
        %gt3A_1200 = arith.cmpf ogt, %div3A, %get3A_1199 : vector<16xf32>
        %convert_element_type3A_1201 = arith.extui %gt3A_1200 : vector<16xi1> to vector<16xi32>
        %mul3A_1202 = arith.constant 144 : i32
        %mul3A_1203 = arith.muli %scan3A_1159, %mul3A_1202 : i32
        %add3A_1204 = arith.constant 0 : i32
        %add3A_1205 = arith.addi %add3A_1204, %mul3A_1203 : i32
        %add3A_1206 = arith.constant 32 : i32
        %add3A_1207 = arith.addi %add3A_1205, %add3A_1206 : i32
        %get3A_1208 = arith.index_cast %add3A_1207 : i32 to index
        %get3A_1209 = tpu.vector_load %arg12[%get3A_1208] {strides = array<i32>} : memref<1232xf32, #tpu.memory_space<vmem>>, vector<16xf32>,
        %gt3A_1210 = arith.cmpf ogt, %div3A, %get3A_1209 : vector<16xf32>
        %convert_element_type3A_1211 = arith.extui %gt3A_1210 : vector<16xi1> to vector<16xi32>
        %mul3A_1212 = arith.constant 144 : i32
        %mul3A_1213 = arith.muli %scan3A_1159, %mul3A_1212 : i32
        %add3A_1214 = arith.constant 0 : i32
        %add3A_1215 = arith.addi %add3A_1214, %mul3A_1213 : i32
        %add3A_1216 = arith.constant 48 : i32
        %add3A_1217 = arith.addi %add3A_1215, %add3A_1216 : i32
        %get3A_1218 = arith.index_cast %add3A_1217 : i32 to index
        %get3A_1219 = tpu.vector_load %arg12[%get3A_1218] {strides = array<i32>} : memref<1232xf32, #tpu.memory_space<vmem>>, vector<16xf32>,
        %gt3A_1220 = arith.cmpf ogt, %div3A, %get3A_1219 : vector<16xf32>
        %convert_element_type3A_1221 = arith.extui %gt3A_1220 : vector<16xi1> to vector<16xi32>
        %mul3A_1222 = arith.constant 144 : i32
        %mul3A_1223 = arith.muli %scan3A_1159, %mul3A_1222 : i32
        %add3A_1224 = arith.constant 0 : i32
        %add3A_1225 = arith.addi %add3A_1224, %mul3A_1223 : i32
        %add3A_1226 = arith.constant 64 : i32
        %add3A_1227 = arith.addi %add3A_1225, %add3A_1226 : i32
        %get3A_1228 = arith.index_cast %add3A_1227 : i32 to index
        %get3A_1229 = tpu.vector_load %arg12[%get3A_1228] {strides = array<i32>} : memref<1232xf32, #tpu.memory_space<vmem>>, vector<16xf32>,
        %gt3A_1230 = arith.cmpf ogt, %div3A, %get3A_1229 : vector<16xf32>
        %convert_element_type3A_1231 = arith.extui %gt3A_1230 : vector<16xi1> to vector<16xi32>
        %mul3A_1232 = arith.constant 144 : i32
        %mul3A_1233 = arith.muli %scan3A_1159, %mul3A_1232 : i32
        %add3A_1234 = arith.constant 0 : i32
        %add3A_1235 = arith.addi %add3A_1234, %mul3A_1233 : i32
        %add3A_1236 = arith.constant 80 : i32
        %add3A_1237 = arith.addi %add3A_1235, %add3A_1236 : i32
        %get3A_1238 = arith.index_cast %add3A_1237 : i32 to index
        %get3A_1239 = tpu.vector_load %arg12[%get3A_1238] {strides = array<i32>} : memref<1232xf32, #tpu.memory_space<vmem>>, vector<16xf32>,
        %gt3A_1240 = arith.cmpf ogt, %div3A, %get3A_1239 : vector<16xf32>
        %convert_element_type3A_1241 = arith.extui %gt3A_1240 : vector<16xi1> to vector<16xi32>
        %mul3A_1242 = arith.constant 144 : i32
        %mul3A_1243 = arith.muli %scan3A_1159, %mul3A_1242 : i32
        %add3A_1244 = arith.constant 0 : i32
        %add3A_1245 = arith.addi %add3A_1244, %mul3A_1243 : i32
        %add3A_1246 = arith.constant 96 : i32
        %add3A_1247 = arith.addi %add3A_1245, %add3A_1246 : i32
        %get3A_1248 = arith.index_cast %add3A_1247 : i32 to index
        %get3A_1249 = tpu.vector_load %arg12[%get3A_1248] {strides = array<i32>} : memref<1232xf32, #tpu.memory_space<vmem>>, vector<16xf32>,
        %gt3A_1250 = arith.cmpf ogt, %div3A, %get3A_1249 : vector<16xf32>
        %convert_element_type3A_1251 = arith.extui %gt3A_1250 : vector<16xi1> to vector<16xi32>
        %mul3A_1252 = arith.constant 144 : i32
        %mul3A_1253 = arith.muli %scan3A_1159, %mul3A_1252 : i32
        %add3A_1254 = arith.constant 0 : i32
        %add3A_1255 = arith.addi %add3A_1254, %mul3A_1253 : i32
        %add3A_1256 = arith.constant 112 : i32
        %add3A_1257 = arith.addi %add3A_1255, %add3A_1256 : i32
        %get3A_1258 = arith.index_cast %add3A_1257 : i32 to index
        %get3A_1259 = tpu.vector_load %arg12[%get3A_1258] {strides = array<i32>} : memref<1232xf32, #tpu.memory_space<vmem>>, vector<16xf32>,
        %gt3A_1260 = arith.cmpf ogt, %div3A, %get3A_1259 : vector<16xf32>
        %convert_element_type3A_1261 = arith.extui %gt3A_1260 : vector<16xi1> to vector<16xi32>
        %mul3A_1262 = arith.constant 144 : i32
        %mul3A_1263 = arith.muli %scan3A_1159, %mul3A_1262 : i32
        %add3A_1264 = arith.constant 0 : i32
        %add3A_1265 = arith.addi %add3A_1264, %mul3A_1263 : i32
        %add3A_1266 = arith.constant 128 : i32
        %add3A_1267 = arith.addi %add3A_1265, %add3A_1266 : i32
        %get3A_1268 = arith.index_cast %add3A_1267 : i32 to index
        %get3A_1269 = tpu.vector_load %arg12[%get3A_1268] {strides = array<i32>} : memref<1232xf32, #tpu.memory_space<vmem>>, vector<16xf32>,
        %gt3A_1270 = arith.cmpf ogt, %div3A, %get3A_1269 : vector<16xf32>
        %convert_element_type3A_1271 = arith.extui %gt3A_1270 : vector<16xi1> to vector<16xi32>
        %add3A_1272 = arith.addi %convert_element_type3A_1191, %convert_element_type3A_1201 : vector<16xi32>
        %add3A_1273 = arith.addi %convert_element_type3A_1211, %convert_element_type3A_1221 : vector<16xi32>
        %add3A_1274 = arith.addi %add3A_1272, %add3A_1273 : vector<16xi32>
        %add3A_1275 = arith.addi %convert_element_type3A_1231, %convert_element_type3A_1241 : vector<16xi32>
        %add3A_1276 = arith.addi %convert_element_type3A_1251, %convert_element_type3A_1261 : vector<16xi32>
        %add3A_1277 = arith.addi %add3A_1275, %add3A_1276 : vector<16xi32>
        %add3A_1278 = arith.addi %add3A_1274, %add3A_1277 : vector<16xi32>
        %add3A_1279 = arith.addi %add3A_1278, %convert_element_type3A_1271 : vector<16xi32>
        %mul3A_1280 = arith.constant 18 : i32
        %mul3A_1281 = vector.broadcast %mul3A_1280 : i32 to vector<16xi32>
        %mul3A_1282 = arith.muli %add3A_1279, %mul3A_1281 : vector<16xi32>
        %mul3A_1283 = arith.constant 180 : i32
        %mul3A_1284 = arith.muli %scan3A_1159, %mul3A_1283 : i32
        %add3A_1285 = vector.broadcast %mul3A_1284 : i32 to vector<16xi32>
        %add3A_1286 = arith.addi %mul3A_1282, %add3A_1285 : vector<16xi32>
        %lt3A_1287 = arith.constant 0 : i32
        %lt3A_1288 = vector.broadcast %lt3A_1287 : i32 to vector<16xi32>
        %lt3A_1289 = arith.cmpi slt, %broadcast_in_dim3A_145, %lt3A_1288 : vector<16xi32>
        %add3A_1290 = arith.constant 16 : i32
        %add3A_1291 = vector.broadcast %add3A_1290 : i32 to vector<16xi32>
        %add3A_1292 = arith.addi %broadcast_in_dim3A_145, %add3A_1291 : vector<16xi32>
        %select_n3A_1293 = arith.select %lt3A_1289, %add3A_1292, %broadcast_in_dim3A_145 : vector<16xi1>, vector<16xi32>
        %broadcast_in_dim3A_1294 = vector.shape_cast %select_n3A_1293 : vector<16xi32> to vector<16x1xi32>
        %gather3A_1295 = vector.shape_cast %broadcast_in_dim3A_1294 : vector<16x1xi32> to vector<16xi32>
        %gather3A_1296 = tpu.dynamic_gather %add3A_1286[%gather3A_1295] in [0] : vector<16xi32>, vector<16xi32> -> vector<16xi32>
        %add3A_1297 = arith.addi %gather3A_1296, %iota3A : vector<16xi32>
        %gather3A_1298 = tpu.vector_load_idx %arg11[%add3A_1297] : memref<1264xf32, #tpu.memory_space<vmem>>[vector<16xi32>], vector<16xf32>,
        %lt3A_1299 = arith.constant 0 : i32
        %lt3A_1300 = vector.broadcast %lt3A_1299 : i32 to vector<16xi32>
        %lt3A_1301 = arith.cmpi slt, %broadcast_in_dim3A_147, %lt3A_1300 : vector<16xi32>
        %add3A_1302 = arith.constant 16 : i32
        %add3A_1303 = vector.broadcast %add3A_1302 : i32 to vector<16xi32>
        %add3A_1304 = arith.addi %broadcast_in_dim3A_147, %add3A_1303 : vector<16xi32>
        %select_n3A_1305 = arith.select %lt3A_1301, %add3A_1304, %broadcast_in_dim3A_147 : vector<16xi1>, vector<16xi32>
        %broadcast_in_dim3A_1306 = vector.shape_cast %select_n3A_1305 : vector<16xi32> to vector<16x1xi32>
        %gather3A_1307 = vector.shape_cast %broadcast_in_dim3A_1306 : vector<16x1xi32> to vector<16xi32>
        %gather3A_1308 = tpu.dynamic_gather %add3A_1286[%gather3A_1307] in [0] : vector<16xi32>, vector<16xi32> -> vector<16xi32>
        %add3A_1309 = arith.addi %gather3A_1308, %iota3A : vector<16xi32>
        %gather3A_1310 = tpu.vector_load_idx %arg11[%add3A_1309] : memref<1264xf32, #tpu.memory_space<vmem>>[vector<16xi32>], vector<16xf32>,
        %lt3A_1311 = arith.constant 0 : i32
        %lt3A_1312 = vector.broadcast %lt3A_1311 : i32 to vector<16xi32>
        %lt3A_1313 = arith.cmpi slt, %broadcast_in_dim3A_149, %lt3A_1312 : vector<16xi32>
        %add3A_1314 = arith.constant 16 : i32
        %add3A_1315 = vector.broadcast %add3A_1314 : i32 to vector<16xi32>
        %add3A_1316 = arith.addi %broadcast_in_dim3A_149, %add3A_1315 : vector<16xi32>
        %select_n3A_1317 = arith.select %lt3A_1313, %add3A_1316, %broadcast_in_dim3A_149 : vector<16xi1>, vector<16xi32>
        %broadcast_in_dim3A_1318 = vector.shape_cast %select_n3A_1317 : vector<16xi32> to vector<16x1xi32>
        %gather3A_1319 = vector.shape_cast %broadcast_in_dim3A_1318 : vector<16x1xi32> to vector<16xi32>
        %gather3A_1320 = tpu.dynamic_gather %add3A_1286[%gather3A_1319] in [0] : vector<16xi32>, vector<16xi32> -> vector<16xi32>
        %add3A_1321 = arith.addi %gather3A_1320, %iota3A : vector<16xi32>
        %gather3A_1322 = tpu.vector_load_idx %arg11[%add3A_1321] : memref<1264xf32, #tpu.memory_space<vmem>>[vector<16xi32>], vector<16xf32>,
        %lt3A_1323 = arith.constant 0 : i32
        %lt3A_1324 = vector.broadcast %lt3A_1323 : i32 to vector<16xi32>
        %lt3A_1325 = arith.cmpi slt, %broadcast_in_dim3A_151, %lt3A_1324 : vector<16xi32>
        %add3A_1326 = arith.constant 16 : i32
        %add3A_1327 = vector.broadcast %add3A_1326 : i32 to vector<16xi32>
        %add3A_1328 = arith.addi %broadcast_in_dim3A_151, %add3A_1327 : vector<16xi32>
        %select_n3A_1329 = arith.select %lt3A_1325, %add3A_1328, %broadcast_in_dim3A_151 : vector<16xi1>, vector<16xi32>
        %broadcast_in_dim3A_1330 = vector.shape_cast %select_n3A_1329 : vector<16xi32> to vector<16x1xi32>
        %gather3A_1331 = vector.shape_cast %broadcast_in_dim3A_1330 : vector<16x1xi32> to vector<16xi32>
        %gather3A_1332 = tpu.dynamic_gather %add3A_1286[%gather3A_1331] in [0] : vector<16xi32>, vector<16xi32> -> vector<16xi32>
        %add3A_1333 = arith.addi %gather3A_1332, %iota3A : vector<16xi32>
        %gather3A_1334 = tpu.vector_load_idx %arg11[%add3A_1333] : memref<1264xf32, #tpu.memory_space<vmem>>[vector<16xi32>], vector<16xf32>,
        %lt3A_1335 = arith.constant 0 : i32
        %lt3A_1336 = vector.broadcast %lt3A_1335 : i32 to vector<16xi32>
        %lt3A_1337 = arith.cmpi slt, %broadcast_in_dim3A_153, %lt3A_1336 : vector<16xi32>
        %add3A_1338 = arith.constant 16 : i32
        %add3A_1339 = vector.broadcast %add3A_1338 : i32 to vector<16xi32>
        %add3A_1340 = arith.addi %broadcast_in_dim3A_153, %add3A_1339 : vector<16xi32>
        %select_n3A_1341 = arith.select %lt3A_1337, %add3A_1340, %broadcast_in_dim3A_153 : vector<16xi1>, vector<16xi32>
        %broadcast_in_dim3A_1342 = vector.shape_cast %select_n3A_1341 : vector<16xi32> to vector<16x1xi32>
        %gather3A_1343 = vector.shape_cast %broadcast_in_dim3A_1342 : vector<16x1xi32> to vector<16xi32>
        %gather3A_1344 = tpu.dynamic_gather %add3A_1286[%gather3A_1343] in [0] : vector<16xi32>, vector<16xi32> -> vector<16xi32>
        %add3A_1345 = arith.addi %gather3A_1344, %iota3A : vector<16xi32>
        %gather3A_1346 = tpu.vector_load_idx %arg11[%add3A_1345] : memref<1264xf32, #tpu.memory_space<vmem>>[vector<16xi32>], vector<16xf32>,
        %lt3A_1347 = arith.constant 0 : i32
        %lt3A_1348 = vector.broadcast %lt3A_1347 : i32 to vector<16xi32>
        %lt3A_1349 = arith.cmpi slt, %broadcast_in_dim3A_155, %lt3A_1348 : vector<16xi32>
        %add3A_1350 = arith.constant 16 : i32
        %add3A_1351 = vector.broadcast %add3A_1350 : i32 to vector<16xi32>
        %add3A_1352 = arith.addi %broadcast_in_dim3A_155, %add3A_1351 : vector<16xi32>
        %select_n3A_1353 = arith.select %lt3A_1349, %add3A_1352, %broadcast_in_dim3A_155 : vector<16xi1>, vector<16xi32>
        %broadcast_in_dim3A_1354 = vector.shape_cast %select_n3A_1353 : vector<16xi32> to vector<16x1xi32>
        %gather3A_1355 = vector.shape_cast %broadcast_in_dim3A_1354 : vector<16x1xi32> to vector<16xi32>
        %gather3A_1356 = tpu.dynamic_gather %add3A_1286[%gather3A_1355] in [0] : vector<16xi32>, vector<16xi32> -> vector<16xi32>
        %add3A_1357 = arith.addi %gather3A_1356, %iota3A : vector<16xi32>
        %gather3A_1358 = tpu.vector_load_idx %arg11[%add3A_1357] : memref<1264xf32, #tpu.memory_space<vmem>>[vector<16xi32>], vector<16xf32>,
        %lt3A_1359 = arith.constant 0 : i32
        %lt3A_1360 = vector.broadcast %lt3A_1359 : i32 to vector<16xi32>
        %lt3A_1361 = arith.cmpi slt, %broadcast_in_dim3A_157, %lt3A_1360 : vector<16xi32>
        %add3A_1362 = arith.constant 16 : i32
        %add3A_1363 = vector.broadcast %add3A_1362 : i32 to vector<16xi32>
        %add3A_1364 = arith.addi %broadcast_in_dim3A_157, %add3A_1363 : vector<16xi32>
        %select_n3A_1365 = arith.select %lt3A_1361, %add3A_1364, %broadcast_in_dim3A_157 : vector<16xi1>, vector<16xi32>
        %broadcast_in_dim3A_1366 = vector.shape_cast %select_n3A_1365 : vector<16xi32> to vector<16x1xi32>
        %gather3A_1367 = vector.shape_cast %broadcast_in_dim3A_1366 : vector<16x1xi32> to vector<16xi32>
        %gather3A_1368 = tpu.dynamic_gather %add3A_1286[%gather3A_1367] in [0] : vector<16xi32>, vector<16xi32> -> vector<16xi32>
        %add3A_1369 = arith.addi %gather3A_1368, %iota3A : vector<16xi32>
        %gather3A_1370 = tpu.vector_load_idx %arg11[%add3A_1369] : memref<1264xf32, #tpu.memory_space<vmem>>[vector<16xi32>], vector<16xf32>,
        %lt3A_1371 = arith.constant 0 : i32
        %lt3A_1372 = vector.broadcast %lt3A_1371 : i32 to vector<16xi32>
        %lt3A_1373 = arith.cmpi slt, %broadcast_in_dim3A_159, %lt3A_1372 : vector<16xi32>
        %add3A_1374 = arith.constant 16 : i32
        %add3A_1375 = vector.broadcast %add3A_1374 : i32 to vector<16xi32>
        %add3A_1376 = arith.addi %broadcast_in_dim3A_159, %add3A_1375 : vector<16xi32>
        %select_n3A_1377 = arith.select %lt3A_1373, %add3A_1376, %broadcast_in_dim3A_159 : vector<16xi1>, vector<16xi32>
        %broadcast_in_dim3A_1378 = vector.shape_cast %select_n3A_1377 : vector<16xi32> to vector<16x1xi32>
        %gather3A_1379 = vector.shape_cast %broadcast_in_dim3A_1378 : vector<16x1xi32> to vector<16xi32>
        %gather3A_1380 = tpu.dynamic_gather %add3A_1286[%gather3A_1379] in [0] : vector<16xi32>, vector<16xi32> -> vector<16xi32>
        %add3A_1381 = arith.addi %gather3A_1380, %iota3A : vector<16xi32>
        %gather3A_1382 = tpu.vector_load_idx %arg11[%add3A_1381] : memref<1264xf32, #tpu.memory_space<vmem>>[vector<16xi32>], vector<16xf32>,
        %lt3A_1383 = arith.constant 0 : i32
        %lt3A_1384 = vector.broadcast %lt3A_1383 : i32 to vector<16xi32>
        %lt3A_1385 = arith.cmpi slt, %broadcast_in_dim3A_161, %lt3A_1384 : vector<16xi32>
        %add3A_1386 = arith.constant 16 : i32
        %add3A_1387 = vector.broadcast %add3A_1386 : i32 to vector<16xi32>
        %add3A_1388 = arith.addi %broadcast_in_dim3A_161, %add3A_1387 : vector<16xi32>
        %select_n3A_1389 = arith.select %lt3A_1385, %add3A_1388, %broadcast_in_dim3A_161 : vector<16xi1>, vector<16xi32>
        %broadcast_in_dim3A_1390 = vector.shape_cast %select_n3A_1389 : vector<16xi32> to vector<16x1xi32>
        %gather3A_1391 = vector.shape_cast %broadcast_in_dim3A_1390 : vector<16x1xi32> to vector<16xi32>
        %gather3A_1392 = tpu.dynamic_gather %add3A_1286[%gather3A_1391] in [0] : vector<16xi32>, vector<16xi32> -> vector<16xi32>
        %add3A_1393 = arith.addi %gather3A_1392, %iota3A : vector<16xi32>
        %gather3A_1394 = tpu.vector_load_idx %arg11[%add3A_1393] : memref<1264xf32, #tpu.memory_space<vmem>>[vector<16xi32>], vector<16xf32>,
        %lt3A_1395 = arith.constant 0 : i32
        %lt3A_1396 = vector.broadcast %lt3A_1395 : i32 to vector<16xi32>
        %lt3A_1397 = arith.cmpi slt, %broadcast_in_dim3A_163, %lt3A_1396 : vector<16xi32>
        %add3A_1398 = arith.constant 16 : i32
        %add3A_1399 = vector.broadcast %add3A_1398 : i32 to vector<16xi32>
        %add3A_1400 = arith.addi %broadcast_in_dim3A_163, %add3A_1399 : vector<16xi32>
        %select_n3A_1401 = arith.select %lt3A_1397, %add3A_1400, %broadcast_in_dim3A_163 : vector<16xi1>, vector<16xi32>
        %broadcast_in_dim3A_1402 = vector.shape_cast %select_n3A_1401 : vector<16xi32> to vector<16x1xi32>
        %gather3A_1403 = vector.shape_cast %broadcast_in_dim3A_1402 : vector<16x1xi32> to vector<16xi32>
        %gather3A_1404 = tpu.dynamic_gather %add3A_1286[%gather3A_1403] in [0] : vector<16xi32>, vector<16xi32> -> vector<16xi32>
        %add3A_1405 = arith.addi %gather3A_1404, %iota3A : vector<16xi32>
        %gather3A_1406 = tpu.vector_load_idx %arg11[%add3A_1405] : memref<1264xf32, #tpu.memory_space<vmem>>[vector<16xi32>], vector<16xf32>,
        %lt3A_1407 = arith.constant 0 : i32
        %lt3A_1408 = vector.broadcast %lt3A_1407 : i32 to vector<16xi32>
        %lt3A_1409 = arith.cmpi slt, %broadcast_in_dim3A_165, %lt3A_1408 : vector<16xi32>
        %add3A_1410 = arith.constant 16 : i32
        %add3A_1411 = vector.broadcast %add3A_1410 : i32 to vector<16xi32>
        %add3A_1412 = arith.addi %broadcast_in_dim3A_165, %add3A_1411 : vector<16xi32>
        %select_n3A_1413 = arith.select %lt3A_1409, %add3A_1412, %broadcast_in_dim3A_165 : vector<16xi1>, vector<16xi32>
        %broadcast_in_dim3A_1414 = vector.shape_cast %select_n3A_1413 : vector<16xi32> to vector<16x1xi32>
        %gather3A_1415 = vector.shape_cast %broadcast_in_dim3A_1414 : vector<16x1xi32> to vector<16xi32>
        %gather3A_1416 = tpu.dynamic_gather %add3A_1286[%gather3A_1415] in [0] : vector<16xi32>, vector<16xi32> -> vector<16xi32>
        %add3A_1417 = arith.addi %gather3A_1416, %iota3A : vector<16xi32>
        %gather3A_1418 = tpu.vector_load_idx %arg11[%add3A_1417] : memref<1264xf32, #tpu.memory_space<vmem>>[vector<16xi32>], vector<16xf32>,
        %lt3A_1419 = arith.constant 0 : i32
        %lt3A_1420 = vector.broadcast %lt3A_1419 : i32 to vector<16xi32>
        %lt3A_1421 = arith.cmpi slt, %broadcast_in_dim3A_167, %lt3A_1420 : vector<16xi32>
        %add3A_1422 = arith.constant 16 : i32
        %add3A_1423 = vector.broadcast %add3A_1422 : i32 to vector<16xi32>
        %add3A_1424 = arith.addi %broadcast_in_dim3A_167, %add3A_1423 : vector<16xi32>
        %select_n3A_1425 = arith.select %lt3A_1421, %add3A_1424, %broadcast_in_dim3A_167 : vector<16xi1>, vector<16xi32>
        %broadcast_in_dim3A_1426 = vector.shape_cast %select_n3A_1425 : vector<16xi32> to vector<16x1xi32>
        %gather3A_1427 = vector.shape_cast %broadcast_in_dim3A_1426 : vector<16x1xi32> to vector<16xi32>
        %gather3A_1428 = tpu.dynamic_gather %add3A_1286[%gather3A_1427] in [0] : vector<16xi32>, vector<16xi32> -> vector<16xi32>
        %add3A_1429 = arith.addi %gather3A_1428, %iota3A : vector<16xi32>
        %gather3A_1430 = tpu.vector_load_idx %arg11[%add3A_1429] : memref<1264xf32, #tpu.memory_space<vmem>>[vector<16xi32>], vector<16xf32>,
        %lt3A_1431 = arith.constant 0 : i32
        %lt3A_1432 = vector.broadcast %lt3A_1431 : i32 to vector<16xi32>
        %lt3A_1433 = arith.cmpi slt, %broadcast_in_dim3A_169, %lt3A_1432 : vector<16xi32>
        %add3A_1434 = arith.constant 16 : i32
        %add3A_1435 = vector.broadcast %add3A_1434 : i32 to vector<16xi32>
        %add3A_1436 = arith.addi %broadcast_in_dim3A_169, %add3A_1435 : vector<16xi32>
        %select_n3A_1437 = arith.select %lt3A_1433, %add3A_1436, %broadcast_in_dim3A_169 : vector<16xi1>, vector<16xi32>
        %broadcast_in_dim3A_1438 = vector.shape_cast %select_n3A_1437 : vector<16xi32> to vector<16x1xi32>
        %gather3A_1439 = vector.shape_cast %broadcast_in_dim3A_1438 : vector<16x1xi32> to vector<16xi32>
        %gather3A_1440 = tpu.dynamic_gather %add3A_1286[%gather3A_1439] in [0] : vector<16xi32>, vector<16xi32> -> vector<16xi32>
        %add3A_1441 = arith.addi %gather3A_1440, %iota3A : vector<16xi32>
        %gather3A_1442 = tpu.vector_load_idx %arg11[%add3A_1441] : memref<1264xf32, #tpu.memory_space<vmem>>[vector<16xi32>], vector<16xf32>,
        %lt3A_1443 = arith.constant 0 : i32
        %lt3A_1444 = vector.broadcast %lt3A_1443 : i32 to vector<16xi32>
        %lt3A_1445 = arith.cmpi slt, %broadcast_in_dim3A_171, %lt3A_1444 : vector<16xi32>
        %add3A_1446 = arith.constant 16 : i32
        %add3A_1447 = vector.broadcast %add3A_1446 : i32 to vector<16xi32>
        %add3A_1448 = arith.addi %broadcast_in_dim3A_171, %add3A_1447 : vector<16xi32>
        %select_n3A_1449 = arith.select %lt3A_1445, %add3A_1448, %broadcast_in_dim3A_171 : vector<16xi1>, vector<16xi32>
        %broadcast_in_dim3A_1450 = vector.shape_cast %select_n3A_1449 : vector<16xi32> to vector<16x1xi32>
        %gather3A_1451 = vector.shape_cast %broadcast_in_dim3A_1450 : vector<16x1xi32> to vector<16xi32>
        %gather3A_1452 = tpu.dynamic_gather %add3A_1286[%gather3A_1451] in [0] : vector<16xi32>, vector<16xi32> -> vector<16xi32>
        %add3A_1453 = arith.addi %gather3A_1452, %iota3A : vector<16xi32>
        %gather3A_1454 = tpu.vector_load_idx %arg11[%add3A_1453] : memref<1264xf32, #tpu.memory_space<vmem>>[vector<16xi32>], vector<16xf32>,
        %lt3A_1455 = arith.constant 0 : i32
        %lt3A_1456 = vector.broadcast %lt3A_1455 : i32 to vector<16xi32>
        %lt3A_1457 = arith.cmpi slt, %broadcast_in_dim3A_173, %lt3A_1456 : vector<16xi32>
        %add3A_1458 = arith.constant 16 : i32
        %add3A_1459 = vector.broadcast %add3A_1458 : i32 to vector<16xi32>
        %add3A_1460 = arith.addi %broadcast_in_dim3A_173, %add3A_1459 : vector<16xi32>
        %select_n3A_1461 = arith.select %lt3A_1457, %add3A_1460, %broadcast_in_dim3A_173 : vector<16xi1>, vector<16xi32>
        %broadcast_in_dim3A_1462 = vector.shape_cast %select_n3A_1461 : vector<16xi32> to vector<16x1xi32>
        %gather3A_1463 = vector.shape_cast %broadcast_in_dim3A_1462 : vector<16x1xi32> to vector<16xi32>
        %gather3A_1464 = tpu.dynamic_gather %add3A_1286[%gather3A_1463] in [0] : vector<16xi32>, vector<16xi32> -> vector<16xi32>
        %add3A_1465 = arith.addi %gather3A_1464, %iota3A : vector<16xi32>
        %gather3A_1466 = tpu.vector_load_idx %arg11[%add3A_1465] : memref<1264xf32, #tpu.memory_space<vmem>>[vector<16xi32>], vector<16xf32>,
        %lt3A_1467 = arith.constant 0 : i32
        %lt3A_1468 = vector.broadcast %lt3A_1467 : i32 to vector<16xi32>
        %lt3A_1469 = arith.cmpi slt, %broadcast_in_dim3A_175, %lt3A_1468 : vector<16xi32>
        %add3A_1470 = arith.constant 16 : i32
        %add3A_1471 = vector.broadcast %add3A_1470 : i32 to vector<16xi32>
        %add3A_1472 = arith.addi %broadcast_in_dim3A_175, %add3A_1471 : vector<16xi32>
        %select_n3A_1473 = arith.select %lt3A_1469, %add3A_1472, %broadcast_in_dim3A_175 : vector<16xi1>, vector<16xi32>
        %broadcast_in_dim3A_1474 = vector.shape_cast %select_n3A_1473 : vector<16xi32> to vector<16x1xi32>
        %gather3A_1475 = vector.shape_cast %broadcast_in_dim3A_1474 : vector<16x1xi32> to vector<16xi32>
        %gather3A_1476 = tpu.dynamic_gather %add3A_1286[%gather3A_1475] in [0] : vector<16xi32>, vector<16xi32> -> vector<16xi32>
        %add3A_1477 = arith.addi %gather3A_1476, %iota3A : vector<16xi32>
        %gather3A_1478 = tpu.vector_load_idx %arg11[%add3A_1477] : memref<1264xf32, #tpu.memory_space<vmem>>[vector<16xi32>], vector<16xf32>,
        %lt3A_1479 = arith.constant 0 : i32
        %lt3A_1480 = vector.broadcast %lt3A_1479 : i32 to vector<16xi32>
        %lt3A_1481 = arith.cmpi slt, %add3A_182, %lt3A_1480 : vector<16xi32>
        %add3A_1482 = arith.constant 16 : i32
        %add3A_1483 = vector.broadcast %add3A_1482 : i32 to vector<16xi32>
        %add3A_1484 = arith.addi %add3A_182, %add3A_1483 : vector<16xi32>
        %select_n3A_1485 = arith.select %lt3A_1481, %add3A_1484, %add3A_182 : vector<16xi1>, vector<16xi32>
        %broadcast_in_dim3A_1486 = vector.shape_cast %select_n3A_1485 : vector<16xi32> to vector<16x1xi32>
        %gather3A_1487 = vector.shape_cast %broadcast_in_dim3A_1486 : vector<16x1xi32> to vector<16xi32>
        %gather3A_1488 = tpu.dynamic_gather %add3A_1286[%gather3A_1487] in [0] : vector<16xi32>, vector<16xi32> -> vector<16xi32>
        %add3A_1489 = arith.addi %gather3A_1488, %add3A_188 : vector<16xi32>
        %gather3A_1490 = tpu.vector_load_idx %arg11[%add3A_1489] : memref<1264xf32, #tpu.memory_space<vmem>>[vector<16xi32>], vector<16xf32>,
        %lt3A_1491 = arith.constant 0 : i32
        %lt3A_1492 = vector.broadcast %lt3A_1491 : i32 to vector<16xi32>
        %lt3A_1493 = arith.cmpi slt, %add3A_185, %lt3A_1492 : vector<16xi32>
        %add3A_1494 = arith.constant 16 : i32
        %add3A_1495 = vector.broadcast %add3A_1494 : i32 to vector<16xi32>
        %add3A_1496 = arith.addi %add3A_185, %add3A_1495 : vector<16xi32>
        %select_n3A_1497 = arith.select %lt3A_1493, %add3A_1496, %add3A_185 : vector<16xi1>, vector<16xi32>
        %broadcast_in_dim3A_1498 = vector.shape_cast %select_n3A_1497 : vector<16xi32> to vector<16x1xi32>
        %gather3A_1499 = vector.shape_cast %broadcast_in_dim3A_1498 : vector<16x1xi32> to vector<16xi32>
        %gather3A_1500 = tpu.dynamic_gather %add3A_1286[%gather3A_1499] in [0] : vector<16xi32>, vector<16xi32> -> vector<16xi32>
        %add3A_1501 = arith.addi %gather3A_1500, %add3A_188 : vector<16xi32>
        %gather3A_1502 = tpu.vector_load_idx %arg11[%add3A_1501] : memref<1264xf32, #tpu.memory_space<vmem>>[vector<16xi32>], vector<16xf32>,
        %mul3A_1503 = arith.constant 18 : i32
        %mul3A_1504 = arith.muli %scan3A_1159, %mul3A_1503 : i32
        %add3A_1505 = arith.addi %mul3A_1145, %mul3A_1504 : i32
        %add3A_1506 = arith.constant 0 : i32
        %add3A_1507 = arith.addi %add3A_1505, %add3A_1506 : i32
        %add3A_1508 = vector.broadcast %add3A_1507 : i32 to vector<16xi32>
        %add3A_1509 = arith.addi %iota3A, %add3A_1508 : vector<16xi32>
        tpu.vector_store_idx %arg13[%add3A_1509], %gather3A_1298 : memref<65536xf32, #tpu.memory_space<vmem>>[vector<16xi32>], vector<16xf32>,
        %add3A_1510 = arith.constant 128 : i32
        %add3A_1511 = arith.addi %add3A_1505, %add3A_1510 : i32
        %add3A_1512 = vector.broadcast %add3A_1511 : i32 to vector<16xi32>
        %add3A_1513 = arith.addi %iota3A, %add3A_1512 : vector<16xi32>
        tpu.vector_store_idx %arg13[%add3A_1513], %gather3A_1310 : memref<65536xf32, #tpu.memory_space<vmem>>[vector<16xi32>], vector<16xf32>,
        %add3A_1514 = arith.constant 256 : i32
        %add3A_1515 = arith.addi %add3A_1505, %add3A_1514 : i32
        %add3A_1516 = vector.broadcast %add3A_1515 : i32 to vector<16xi32>
        %add3A_1517 = arith.addi %iota3A, %add3A_1516 : vector<16xi32>
        tpu.vector_store_idx %arg13[%add3A_1517], %gather3A_1322 : memref<65536xf32, #tpu.memory_space<vmem>>[vector<16xi32>], vector<16xf32>,
        %add3A_1518 = arith.constant 384 : i32
        %add3A_1519 = arith.addi %add3A_1505, %add3A_1518 : i32
        %add3A_1520 = vector.broadcast %add3A_1519 : i32 to vector<16xi32>
        %add3A_1521 = arith.addi %iota3A, %add3A_1520 : vector<16xi32>
        tpu.vector_store_idx %arg13[%add3A_1521], %gather3A_1334 : memref<65536xf32, #tpu.memory_space<vmem>>[vector<16xi32>], vector<16xf32>,
        %add3A_1522 = arith.constant 512 : i32
        %add3A_1523 = arith.addi %add3A_1505, %add3A_1522 : i32
        %add3A_1524 = vector.broadcast %add3A_1523 : i32 to vector<16xi32>
        %add3A_1525 = arith.addi %iota3A, %add3A_1524 : vector<16xi32>
        tpu.vector_store_idx %arg13[%add3A_1525], %gather3A_1346 : memref<65536xf32, #tpu.memory_space<vmem>>[vector<16xi32>], vector<16xf32>,
        %add3A_1526 = arith.constant 640 : i32
        %add3A_1527 = arith.addi %add3A_1505, %add3A_1526 : i32
        %add3A_1528 = vector.broadcast %add3A_1527 : i32 to vector<16xi32>
        %add3A_1529 = arith.addi %iota3A, %add3A_1528 : vector<16xi32>
        tpu.vector_store_idx %arg13[%add3A_1529], %gather3A_1358 : memref<65536xf32, #tpu.memory_space<vmem>>[vector<16xi32>], vector<16xf32>,
        %add3A_1530 = arith.constant 768 : i32
        %add3A_1531 = arith.addi %add3A_1505, %add3A_1530 : i32
        %add3A_1532 = vector.broadcast %add3A_1531 : i32 to vector<16xi32>
        %add3A_1533 = arith.addi %iota3A, %add3A_1532 : vector<16xi32>
        tpu.vector_store_idx %arg13[%add3A_1533], %gather3A_1370 : memref<65536xf32, #tpu.memory_space<vmem>>[vector<16xi32>], vector<16xf32>,
        %add3A_1534 = arith.constant 896 : i32
        %add3A_1535 = arith.addi %add3A_1505, %add3A_1534 : i32
        %add3A_1536 = vector.broadcast %add3A_1535 : i32 to vector<16xi32>
        %add3A_1537 = arith.addi %iota3A, %add3A_1536 : vector<16xi32>
        tpu.vector_store_idx %arg13[%add3A_1537], %gather3A_1382 : memref<65536xf32, #tpu.memory_space<vmem>>[vector<16xi32>], vector<16xf32>,
        %add3A_1538 = arith.constant 1024 : i32
        %add3A_1539 = arith.addi %add3A_1505, %add3A_1538 : i32
        %add3A_1540 = vector.broadcast %add3A_1539 : i32 to vector<16xi32>
        %add3A_1541 = arith.addi %iota3A, %add3A_1540 : vector<16xi32>
        tpu.vector_store_idx %arg13[%add3A_1541], %gather3A_1394 : memref<65536xf32, #tpu.memory_space<vmem>>[vector<16xi32>], vector<16xf32>,
        %add3A_1542 = arith.constant 1152 : i32
        %add3A_1543 = arith.addi %add3A_1505, %add3A_1542 : i32
        %add3A_1544 = vector.broadcast %add3A_1543 : i32 to vector<16xi32>
        %add3A_1545 = arith.addi %iota3A, %add3A_1544 : vector<16xi32>
        tpu.vector_store_idx %arg13[%add3A_1545], %gather3A_1406 : memref<65536xf32, #tpu.memory_space<vmem>>[vector<16xi32>], vector<16xf32>,
        %add3A_1546 = arith.constant 1280 : i32
        %add3A_1547 = arith.addi %add3A_1505, %add3A_1546 : i32
        %add3A_1548 = vector.broadcast %add3A_1547 : i32 to vector<16xi32>
        %add3A_1549 = arith.addi %iota3A, %add3A_1548 : vector<16xi32>
        tpu.vector_store_idx %arg13[%add3A_1549], %gather3A_1418 : memref<65536xf32, #tpu.memory_space<vmem>>[vector<16xi32>], vector<16xf32>,
        %add3A_1550 = arith.constant 1408 : i32
        %add3A_1551 = arith.addi %add3A_1505, %add3A_1550 : i32
        %add3A_1552 = vector.broadcast %add3A_1551 : i32 to vector<16xi32>
        %add3A_1553 = arith.addi %iota3A, %add3A_1552 : vector<16xi32>
        tpu.vector_store_idx %arg13[%add3A_1553], %gather3A_1430 : memref<65536xf32, #tpu.memory_space<vmem>>[vector<16xi32>], vector<16xf32>,
        %add3A_1554 = arith.constant 1536 : i32
        %add3A_1555 = arith.addi %add3A_1505, %add3A_1554 : i32
        %add3A_1556 = vector.broadcast %add3A_1555 : i32 to vector<16xi32>
        %add3A_1557 = arith.addi %iota3A, %add3A_1556 : vector<16xi32>
        tpu.vector_store_idx %arg13[%add3A_1557], %gather3A_1442 : memref<65536xf32, #tpu.memory_space<vmem>>[vector<16xi32>], vector<16xf32>,
        %add3A_1558 = arith.constant 1664 : i32
        %add3A_1559 = arith.addi %add3A_1505, %add3A_1558 : i32
        %add3A_1560 = vector.broadcast %add3A_1559 : i32 to vector<16xi32>
        %add3A_1561 = arith.addi %iota3A, %add3A_1560 : vector<16xi32>
        tpu.vector_store_idx %arg13[%add3A_1561], %gather3A_1454 : memref<65536xf32, #tpu.memory_space<vmem>>[vector<16xi32>], vector<16xf32>,
        %add3A_1562 = arith.constant 1792 : i32
        %add3A_1563 = arith.addi %add3A_1505, %add3A_1562 : i32
        %add3A_1564 = vector.broadcast %add3A_1563 : i32 to vector<16xi32>
        %add3A_1565 = arith.addi %iota3A, %add3A_1564 : vector<16xi32>
        tpu.vector_store_idx %arg13[%add3A_1565], %gather3A_1466 : memref<65536xf32, #tpu.memory_space<vmem>>[vector<16xi32>], vector<16xf32>,
        %add3A_1566 = arith.constant 1920 : i32
        %add3A_1567 = arith.addi %add3A_1505, %add3A_1566 : i32
        %add3A_1568 = vector.broadcast %add3A_1567 : i32 to vector<16xi32>
        %add3A_1569 = arith.addi %iota3A, %add3A_1568 : vector<16xi32>
        tpu.vector_store_idx %arg13[%add3A_1569], %gather3A_1478 : memref<65536xf32, #tpu.memory_space<vmem>>[vector<16xi32>], vector<16xf32>,
        %add3A_1570 = vector.broadcast %add3A_1505 : i32 to vector<16xi32>
        %add3A_1571 = arith.addi %add3A_192, %add3A_1570 : vector<16xi32>
        tpu.vector_store_idx %arg13[%add3A_1571], %gather3A_1490 : memref<65536xf32, #tpu.memory_space<vmem>>[vector<16xi32>], vector<16xf32>,
        %add3A_1572 = vector.broadcast %add3A_1505 : i32 to vector<16xi32>
        %add3A_1573 = arith.addi %add3A_196, %add3A_1572 : vector<16xi32>
        tpu.vector_store_idx %arg13[%add3A_1573], %gather3A_1502 : memref<65536xf32, #tpu.memory_space<vmem>>[vector<16xi32>], vector<16xf32>,
      }
      %scan3A_1151 = arith.constant 7 : i32
      %add3A_1152 = arith.addi %mul3A_2, %mul3A_1145 : i32
      %dma_start3A_1153 = tpu.memref_slice %arg13[%mul3A_1145] : memref<65536xf32, #tpu.memory_space<vmem>> -> memref<2048xf32, #tpu.memory_space<vmem>>
      %dma_start3A_1154 = tpu.memref_slice %arg7[%add3A_1152] : memref<2097152xf32, #tpu.memory_space<hbm>> -> memref<2048xf32, #tpu.memory_space<hbm>>
      %dma_start3A_1155 = tpu.memref_slice %arg7[%add3A_1152] : memref<2097152xf32, #tpu.memory_space<hbm>> -> memref<2048xf32, #tpu.memory_space<hbm>>
      %dma_start3A_1156 = tpu.memref_slice %arg13[%mul3A_1145] : memref<65536xf32, #tpu.memory_space<vmem>> -> memref<2048xf32, #tpu.memory_space<vmem>>
      tpu.enqueue_dma source(%dma_start3A_1156 : memref<2048xf32, #tpu.memory_space<vmem>>) target(%dma_start3A_1155 : memref<2048xf32, #tpu.memory_space<hbm>>) target_semaphore(%arg15 : memref<!tpu.dma_semaphore, #tpu.memory_space<semaphore_mem>>)
      %gt3A = arith.constant 0 : i32
      %gt3A_1157 = arith.cmpi sgt, %scan3A_1143, %gt3A : i32
      %convert_element_type3A = arith.extui %gt3A_1157 : i1 to i32
      %cond3A = arith.constant 0 : i32
      %cond3A_1158 = arith.cmpi ne, %convert_element_type3A, %cond3A : i32
      scf.if %cond3A_1158 {
        %sub3A = arith.constant 2048 : i32
        %sub3A_1159 = arith.subi %mul3A_1145, %sub3A : i32
        %add3A_1160 = arith.addi %mul3A_2, %mul3A_1145 : i32
        %sub3A_1161 = arith.constant 2048 : i32
        %sub3A_1162 = arith.subi %add3A_1160, %sub3A_1161 : i32
        %dma_wait3A_1163 = tpu.memref_slice %arg13[%sub3A_1159] : memref<65536xf32, #tpu.memory_space<vmem>> -> memref<2048xf32, #tpu.memory_space<vmem>>
        %dma_wait3A_1164 = tpu.memref_slice %arg7[%sub3A_1162] : memref<2097152xf32, #tpu.memory_space<hbm>> -> memref<2048xf32, #tpu.memory_space<hbm>>
        %dma_wait3A_1165 = tpu.memref_slice %arg7[%sub3A_1162] : memref<2097152xf32, #tpu.memory_space<hbm>> -> memref<2048xf32, #tpu.memory_space<hbm>>
        %dma_wait3A_1166 = tpu.memref_slice %arg13[%sub3A_1159] : memref<65536xf32, #tpu.memory_space<vmem>> -> memref<2048xf32, #tpu.memory_space<vmem>>
        tpu.wait_dma2 semaphore(%arg15 : memref<!tpu.dma_semaphore, #tpu.memory_space<semaphore_mem>>) src(%dma_wait3A_1166 : memref<2048xf32, #tpu.memory_space<vmem>>) dst(%dma_wait3A_1165 : memref<2048xf32, #tpu.memory_space<hbm>>)
      } else {
      }
    }
    %scan3A_1134 = arith.constant 32 : i32
    %add3A_1135 = arith.constant 63488 : i32
    %add3A_1136 = arith.addi %mul3A_2, %add3A_1135 : i32
    %dma_wait3A_1137 = arith.constant 63488 : i32
    %dma_wait3A_1138 = tpu.memref_slice %arg13[%dma_wait3A_1137] : memref<65536xf32, #tpu.memory_space<vmem>> -> memref<2048xf32, #tpu.memory_space<vmem>>
    %dma_wait3A_1139 = tpu.memref_slice %arg7[%add3A_1136] : memref<2097152xf32, #tpu.memory_space<hbm>> -> memref<2048xf32, #tpu.memory_space<hbm>>
    %dma_wait3A_1140 = tpu.memref_slice %arg7[%add3A_1136] : memref<2097152xf32, #tpu.memory_space<hbm>> -> memref<2048xf32, #tpu.memory_space<hbm>>
    %dma_wait3A_1141 = arith.constant 63488 : i32
    %dma_wait3A_1142 = tpu.memref_slice %arg13[%dma_wait3A_1141] : memref<65536xf32, #tpu.memory_space<vmem>> -> memref<2048xf32, #tpu.memory_space<vmem>>
    tpu.wait_dma2 semaphore(%arg15 : memref<!tpu.dma_semaphore, #tpu.memory_space<semaphore_mem>>) src(%dma_wait3A_1142 : memref<2048xf32, #tpu.memory_space<vmem>>) dst(%dma_wait3A_1140 : memref<2048xf32, #tpu.memory_space<hbm>>)
    return
  }
}

</mosaic_0001>

<sc_bundles>
// kernel: _encode.3.cloned.1.call-start
scs
__scs_entry_jumppad:
0x0: {  	(pc) =	sbr.rel $0x88, $3  }
0x1: {  	(tag) =	ssettag $0x0;
	lr =	simm.s32 $0x1  }
0x2: {  	[smem:$0x3F9C] =	sst lr;
	_ =	strace $0xD0000000  }
0x3: {  	_ = 	snop  }
0x4: {  	_ = 	snop  }
0x5: {  	_ = 	snop  }
0x6: {  	_ = 	snop  }
0x7: {  	_ = 	snop  }
__scs_overlays_trampoline_lowered:
0x8: {  	[smem:$0x3FAB] =	sst s0  }
0x9: {  	[smem:$0x3FAC] =	sst s1  }
0xa: {  	[smem:$0x3FAD] =	sst s2  }
0xb: {  	[smem:$0x3FAE] =	sst s3  }
0xc: {  	[smem:$0x3FAF] =	sst s4  }
0xd: {  	[smem:$0x3FB0] =	sst s5  }
0xe: {  	[smem:$0x3FB1] =	sst s6  }
0xf: {  	[smem:$0x3FB2] =	sst s7  }
0x10: {  	[smem:$0x3FB3] =	sst s8  }
0x11: {  	[smem:$0x3FB4] =	sst s9;
	s0 =	simm.s32 @!p0 $0x0  }
0x12: {  	s1 =	sld [smem:$0x3F9A];
	s0 =	simm.s32 @p0 $0x1  }
0x13: {  	[smem:$0x3FB5] =	sst s0;
	s0 =	simm.s32 @!p1 $0x0  }
0x14: {  	s2 =	sld [smem:$0x3F99];
	s0 =	simm.s32 @p1 $0x1  }
0x15: {  	[smem:$0x3FB6] =	sst s0;
	s0 =	simm.s32 @!p2 $0x0  }
0x16: {  	s3 =	sld [smem:$0x3FDB];
	s0 =	simm.s32 @p2 $0x1  }
0x17: {  	s4 =	simm.s32 $0x1BF5;
	[smem:$0x3FB8] =	sst s0  }
0x18: {  	s0 =	sld [smem:$0x3F9B];
	_ =	swait.ge [sflag:s4], $0x0  }
0x19: {  	s7 =	sld [smem:$0x3F9C]  }
0x1a: {  	s8 =	sadd.s32 $0xFFFFE003, lr  }
0x1b: {  	s9 =	sadd.s32 $0xFFFFFEF7, lr;
	s5 =	simm.s32 $0xFFFFFFFF;
	p2 =	slt.u32 s8, $0xFFFFF086  }
0x1c: {  	p1 =	slt.u32 s9, $0xF7A;
	s5 =	simm.s32 @!p2 $0x0  }
0x1d: {  	s5 =	simm.s32 @p1 $0x1;
	p0 =	seq.s32 s7, s2  }
0x1e: {  	s7 =	smul.u32 @!p0 $0xF7A, s2;
	p2 =	seq.s32 @!p0 s5, $0x0  }
0x1f: {  	s9 =	smul.u32 $0xF7A, s1;
	s8 =	simm.s32 @!p0 $0x1BF5;
	p2 =	por !p2, p0  }
0x20: {  	[sflag:s8] =	ssyncset.s32 @!p0 $0xFFFFF086;
	s6 =	sadd.s32 @!p0 s3, s7;
	s7 =	simm.s32 @!p0 $0x108  }
0x21: {  	s3 =	sadd.s32 s3, s9;
	s6 =	sadd.s32 @!p0 $0x88, s6;
	s7 =	simm.s32 @p2 $0x1082  }
0x22: {  	[simem:s7], [sflag:s8] =	dma.local @!p0 [hbm:s6], $0xF7A  }
0x23: {  	s9 =	sor.u32 $0xD0000000, s2;
	s6 =	simm.s32 $0x108;
	_ =	swait.ge @!p0 [sflag:s8], $0x0  }
0x24: {  	s3 =	sadd.s32 $0x88, s3;
	s6 =	simm.s32 @!p1 $0x1082;
	[sflag:s4] =	ssyncset.s32 $0xFFFFF086  }
0x25: {  	[simem:s6], [sflag:s4] =	dma.local [hbm:s3], $0xF7A  }
0x26: {  	[smem:$0x3F9C] =	sst s1;
	(tag) =	ssettag s2;
	_ =	strace s9  }
0x27: {  	s1 =	sld [smem:$0x3FAC]  }
0x28: {  	s2 =	sld [smem:$0x3FAD]  }
0x29: {  	s4 =	sld [smem:$0x3FAF]  }
0x2a: {  	p0 =	seq.s32 s5, $0x0;
	s5 =	sld [smem:$0x3FB0]  }
0x2b: {  	s6 =	sld [smem:$0x3FB1]  }
0x2c: {  	s7 =	sld [smem:$0x3FB2]  }
0x2d: {  	s3 =	simm.s32 $0x108;
	s8 =	sld [smem:$0x3FB3]  }
0x2e: {  	s3 =	simm.s32 @!p0 $0x1082;
	s9 =	sld [smem:$0x3FB4]  }
0x2f: {  	lr =	sadd.s32 s0, s3;
	s0 =	sld [smem:$0x3FAB]  }
0x30: {  	s3 =	sld [smem:$0x3FAE]  }
0x31: {  	[smem:$0x3FB7] =	sst s10  }
0x32: {  	s10 =	sld [smem:$0x3FB5];
	_ =	sdelay $0x3  }
0x33: {  	p0 =	seq.s32 s10, $0x1;
	s10 =	sld [smem:$0x3FB7];
	_ =	sdelay $0x3  }
0x34: {  	[smem:$0x3FB7] =	sst s10  }
0x35: {  	s10 =	sld [smem:$0x3FB6];
	_ =	sdelay $0x3  }
0x36: {  	p1 =	seq.s32 s10, $0x1;
	s10 =	sld [smem:$0x3FB7];
	_ =	sdelay $0x3  }
0x37: {  	[smem:$0x3FB7] =	sst s10  }
0x38: {  	s10 =	sld [smem:$0x3FB8]  }
0x39: {  	_ = 	snop;
	(pc) =	sbr.ind lr, $3  }
0x3a: {  	_ = 	snop  }
0x3b: {  	_ = 	snop  }
0x3c: {  	p2 =	seq.s32 s10, $0x1;
	s10 =	sld [smem:$0x3FB7]  }
0x3d: {  	_ =	shalt  }
0x3e: {  	_ =	shalt  }
0x3f: {  	_ =	shalt  }
0x40: {  	_ =	shalt  }
0x41: {  	_ =	shalt  }
0x42: {  	_ =	shalt  }
0x43: {  	_ =	shalt  }
0x44: {  	_ =	shalt  }
0x45: {  	_ =	shalt  }
0x46: {  	_ =	shalt  }
0x47: {  	_ =	shalt  }
0x48: {  	_ =	shalt  }
0x49: {  	_ =	shalt  }
0x4a: {  	_ =	shalt  }
0x4b: {  	_ =	shalt  }
0x4c: {  	_ =	shalt  }
0x4d: {  	_ =	shalt  }
0x4e: {  	_ =	shalt  }
0x4f: {  	_ =	shalt  }
0x50: {  	_ =	shalt  }
0x51: {  	_ =	shalt  }
0x52: {  	_ =	shalt  }
0x53: {  	_ =	shalt  }
0x54: {  	_ =	shalt  }
0x55: {  	_ =	shalt  }
0x56: {  	_ =	shalt  }
0x57: {  	_ =	shalt  }
0x58: {  	_ =	shalt  }
0x59: {  	_ =	shalt  }
0x5a: {  	_ =	shalt  }
0x5b: {  	_ =	shalt  }
0x5c: {  	_ =	shalt  }
0x5d: {  	_ =	shalt  }
0x5e: {  	_ =	shalt  }
0x5f: {  	_ =	shalt  }
0x60: {  	_ =	shalt  }
0x61: {  	_ =	shalt  }
0x62: {  	_ =	shalt  }
0x63: {  	_ =	shalt  }
0x64: {  	_ =	shalt  }
0x65: {  	_ =	shalt  }
0x66: {  	_ =	shalt  }
0x67: {  	_ =	shalt  }
0x68: {  	_ =	shalt  }
0x69: {  	_ =	shalt  }
0x6a: {  	_ =	shalt  }
0x6b: {  	_ =	shalt  }
0x6c: {  	_ =	shalt  }
0x6d: {  	_ =	shalt  }
0x6e: {  	_ =	shalt  }
0x6f: {  	_ =	shalt  }
0x70: {  	_ =	shalt  }
0x71: {  	_ =	shalt  }
0x72: {  	_ =	shalt  }
0x73: {  	_ =	shalt  }
0x74: {  	_ =	shalt  }
0x75: {  	_ =	shalt  }
0x76: {  	_ =	shalt  }
0x77: {  	_ =	shalt  }
0x78: {  	_ =	shalt  }
0x79: {  	_ =	shalt  }
0x7a: {  	_ =	shalt  }
0x7b: {  	_ =	shalt  }
0x7c: {  	_ =	shalt  }
0x7d: {  	_ =	shalt  }
0x7e: {  	_ =	shalt  }
0x7f: {  	_ =	shalt  }
0x80: {  	_ =	shalt  }
0x81: {  	_ =	shalt  }
0x82: {  	_ =	shalt  }
0x83: {  	_ =	shalt  }
0x84: {  	_ =	shalt  }
0x85: {  	_ =	shalt  }
0x86: {  	_ =	shalt  }
0x87: {  	_ =	shalt  }
.Lfunc_end0:
.L_simem_size_0:
called_computation_lowered:
.L_overlay_start_0:
0x88: {  	s2 =	sld [smem:$0x3FD9]  }
0x89: {  	s3 =	sld [smem:$0x3FFE];
	_ =	sdelay $0x1  }
0x8a: {  	s1 =	srdreg.scid  }
0x8b: {  	s0 =	sand.u32 $0x1, s1  }
0x8c: {  	s18 =	sshll.u32 s0, $0xA;
	s2 =	sadd.s32 s3, s2  }
0x8d: {  	s2 =	sadd.s32 s2, s18  }
0x8e: {  	[smem:$0x3FC3] =	sst s2  }
0x8f: {  	_ = 	snop  }
0x90: {  	s2 =	sld [smem:$0x3FC9]  }
0x91: {  	s19 =	sld [smem:$0x3FC8]  }
0x92: {  	s4 =	sld [smem:$0x3FC7]  }
0x93: {  	s5 =	sld [smem:$0x3FC6]  }
0x94: {  	s6 =	sld [smem:$0x3FC5]  }
0x95: {  	s7 =	sld [smem:$0x3FD0];
	(tm) =	ssettm $0x1  }
0x96: {  	s8 =	sld [smem:$0x3FFB];
	_ =	sdelay $0x3  }
0x97: {  	_ =	strace s8  }
0x98: {  	s8 =	sld [smem:$0x3FFC];
	_ =	sdelay $0x3  }
0x99: {  	_ =	strace s8  }
0x9a: {  	s8 =	sld [smem:$0x3FFD];
	_ =	sdelay $0x3  }
0x9b: {  	_ =	strace s8  }
0x9c: {  	_ =	strace $0x8FFFFFFF  }
0x9d: {  	s20 =	sld [smem:$0x3FDB];
	_ =	sdelay $0x1  }
0x9e: {  	s9 =	simm.s32 $_scs_section_size  }
0x9f: {  	s10 =	simm.s32 $_size__tile_overlayer_lowered;
	s11 =	simm.s32 $_tile_overlayer_lowered  }
0xa0: {  	s23 =	simm.s32 $0x1BFF;
	s22 =	sshll.u32 s11, $0x1;
	s8 =	sadd.s32 s9, s20  }
0xa1: {  	s12 =	simm.s32 $0x0;
	s21 =	sshll.u32 s10, $0x1;
	s10 =	sadd.s32 s22, s8  }
0xa2: {  	[timem:s12], [sflag:s23] =	dma.local [hbm:s10], s21  }
0xa3: {  	_ =	swait.ge [sflag:s23], s21  }
0xa4: {  	s9 =	ssub.s32 $0x0, s21;
	[sflag:s23] =	ssyncset.done $0x0  }
0xa5: {  	[sflag:s23] =	ssyncadd.s32 s9;
	_ =	sdelay $0x1  }
0xa6: {  	s24 =	simm.s32 $0x1B8B  }
0xa7: {  	_ =	swait.ge [sflag:s24], $0x1  }
0xa8: {  	[sflag:s24] =	ssyncset.done $0x0  }
0xa9: {  	s25 =	simm.s32 $0x1B8E;
	[sflag:s24] =	ssyncadd.s32 $0xFFFFFFFF  }
0xaa: {  	s26 =	simm.s32 $execute0_lowered;
	[smem:$0x3FD2] =	sst s25  }
0xab: {  	s9 =	sshll.u32 s26, $0x1;
	_ =	strace $0x80000046;
	[dreg:$0x1] =	wrdreg $0xFFFFFFFF  }
0xac: {  	s28 =	simm.s32 $_size_execute0_lowered;
	s8 =	sadd.s32 s8, s9;
	[dreg:$0x0] =	wrdreg $0x0  }
0xad: {  	s9 =	sshll.u32 s28, $0x1;
	[dreg:$0x2] =	wrdreg s8  }
0xae: {  	[dreg:$0x3] =	wrdreg s9  }
0xaf: {  	[dreg:$0x4] =	wrdreg $0xC0  }
0xb0: {  	_ =	task [dreg:s12], $0x5FFFF  }
0xb1: {  	[dreg:$0x1] =	wrdreg $0xFFFFFFFF  }
0xb2: {  	[dreg:$0x0] =	wrdreg $0x60  }
0xb3: {  	[dreg:$0x2] =	wrdreg s2  }
0xb4: {  	[dreg:$0x3] =	wrdreg s19  }
0xb5: {  	[dreg:$0x4] =	wrdreg s4  }
0xb6: {  	[dreg:$0x5] =	wrdreg s5  }
0xb7: {  	[dreg:$0x6] =	wrdreg s6  }
0xb8: {  	[dreg:$0x7] =	wrdreg s7  }
0xb9: {  	[dreg:$0x8] =	wrdreg $0x9  }
0xba: {  	_ =	task.clear_ibuf [dreg:s12], $0x9FFFF;
	_ =	strace $0x90000046  }
0xbb: {  	s29 =	simm.s32 $0x9;
	_ =	strace $0x80000048  }
0xbc: {  	_ =	swait.ge [sflag:s29], $0x1  }
0xbd: {  	[sflag:s29] =	ssyncadd.s32 $0xFFFFFFFF  }
0xbe: {  	_ =	strace $0x90000048  }
0xbf: {  	_ =	sfence  }
0xc0: {  	s30 =	sld [smem:$0x0];
	_ =	sdelay $0x2  }
0xc1: {  	s31 =	sshll.u32 s1, $0xD;
	s1 =	sshrl.u32 s1, $0x2  }
0xc2: {  	s3 =	sand.u32 $0x4000, s31;
	s1 =	sadd.s32 s1, s30  }
0xc3: {  	s0 =	sor.u32 s3, s0;
	s1 =	sshll.u32 s1, $0x11  }
0xc4: {  	s0 =	sor.u32 s1, s0  }
0xc5: {  	s0 =	sadd.s32 $0x8F2B, s0  }
0xc6: {  	[sflag:s0] =	ssyncadd.remote.s32 $0x1  }
0xc7: {  	_ =	sfence.sel $0xFFFF  }
0xc8: {  	[dreg:$0x0] =	wrdreg $0xFFFFFFFF;
	(pc) =	sbr.abs _section_cstart, $3  }
0xc9: {  	[dreg:$0x1] =	wrdreg $0xFFFFFFFF  }
0xca: {  	_ =	task.clear_ibuf [dreg:s12], $0x2FFFF;
	_ =	strace $0x9FFFFFFF  }
0xcb: {  	(tm) =	ssettm $0x7FFFFFFF  }
tec
execute0_lowered:
.L_overlay_start_1:
0x0: {  	(tag) =	ssettag $0x1  }
0x1: {  	v0 =	vimm.s32 $0x1;
	v1 =	vimm.s32 $0x2  }
0x2: {  	v2 =	vimm.s32 $0x3;
	v3 =	vimm.s32 $0x4;
	v4 =	vimm.s32 $0x5  }
0x3: {  	v5 =	vimm.s32 $0x6;
	v6 =	vimm.s32 $0x7;
	v7 =	vimm.s32 $0x8  }
0x4: {  	v8 =	vimm.s32 $0x9;
	v9 =	vimm.s32 $0x0;
	v10 =	vimm.s32 $0xC  }
0x5: {  	v11 =	vimm.s32 $0xD;
	v12 =	vimm.s32 $0xE;
	v13 =	vimm.s32 $0xF  }
0x6: {  	v14 =	vimm.s32 $0xA;
	v15 =	vimm.s32 $0xB;
	v16 =	vlaneseq.u32  }
0x7: {  	v19 =	vimm.s32 $0x91901110;
	v20 =	vimm.s32 $0x791;
	vm0 =	vcmask $0x300  }
0x8: {  	vm14 =	vcmask $0x704;
	vm15 =	vcmask $0xB08;
	vm1 =	vcmask $0xF00  }
0x9: {  	vm4 =	vcmask $0xF0C;
	v19 =	vunpack.c.0.s8.s32 v19;
	v20 =	vsel vm0, $0x410, v20  }
0xa: {  	vm5 =	vcmask $0x1310;
	vm6 =	vcmask $0x1714;
	v20 =	vsel vm14, $0x411, v20  }
0xb: {  	s1 =	srdreg.scid;
	s2 =	stileid.u32;
	vm7 =	vcmask $0x1B18;
	v19 =	vand.u32 $0xFF, v19;
	v20 =	vsel vm15, $0x490, v20  }
0xc: {  	vm8 =	vcmask $0x1F1C;
	s1 =	sand.u32 $0x1, s1;
	s2 =	sshll.u32 s2, $0x1;
	v19 =	vnsel vm1, $0x391, v19;
	v20 =	vsel vm4, $0x491, v20  }
0xd: {  	s0 =	rddreg [dreg:$0x0];
	vm9 =	vcmask $0x2320;
	s3 =	ssub.s32 $0x2, s1;
	s1 =	sor.u32 s1, s2;
	v19 =	vsel vm5, $0x110, v19;
	v20 =	vsel vm5, $0x510, v20  }
0xe: {  	s5 =	rddreg [dreg:$0x5];
	s7 =	simm.s32 $0x0;
	vm10 =	vcmask $0x2724;
	s4 =	sshll.u32 s1, $0x6;
	v19 =	vsel vm6, $0x111, v19;
	v20 =	vsel vm6, $0x511, v20  }
0xf: {  	vm11 =	vcmask $0x2B28;
	[smem:$0x7FF] =	sst s7;
	s0 =	sadd.s32 s0, s4;
	v19 =	vsel vm7, $0x190, v19;
	v20 =	vsel vm7, $0x590, v20  }
0x10: {  	vm12 =	vcmask $0x2F2C;
	_ =	strace $0x80000047;
	s21 =	sadd.s32 $0x800, s0;
	[dreg:$0x7] =	wrdreg s0;
	v19 =	vsel vm8, $0x191, v19;
	v20 =	vsel vm8, $0x591, v20  }
0x11: {  	vm13 =	vcmask $0x3330;
	s28 =	simm.s32 $0x1;
	s22 =	sadd.s32 $0x1000, s0;
	[dreg:$0x8] =	wrdreg s21;
	v19 =	vsel vm9, $0x210, v19;
	v20 =	vsel vm9, $0x610, v20  }
0x12: {  	s29 =	simm.s32 $0x1900;
	v17 =	vshrl.u32 v16, $0x1;
	s23 =	sadd.s32 $0x1800, s0;
	[dreg:$0x9] =	wrdreg s22;
	v19 =	vsel vm10, $0x211, v19;
	v20 =	vsel vm10, $0x611, v20  }
0x13: {  	s30 =	simm.s32 $0x2;
	v18 =	vand.u32 $0x1, v16;
	s24 =	sadd.s32 $0x2000, s0;
	[dreg:$0xa] =	wrdreg s23;
	v19 =	vsel vm11, $0x290, v19;
	v20 =	vsel vm11, $0x690, v20  }
0x14: {  	v18 =	vor.u32 $0x10, v18;
	s20 =	sshrl.u32 s3, $0x1;
	s25 =	sadd.s32 $0x2800, s0;
	[dreg:$0xb] =	wrdreg s24;
	v19 =	vsel vm12, $0x291, v19;
	v20 =	vsel vm12, $0x691, v20  }
0x15: {  	vm14 =	vcmask $0x3734;
	s2 =	ssub.s32 s3, s20;
	s0 =	sadd.s32 $0x3000, s0;
	[dreg:$0xc] =	wrdreg s25;
	v19 =	vsel vm13, $0x310, v19;
	v20 =	vsel vm13, $0x710, v20  }
0x16: {  	s31 =	simm.s32 $0x0;
	vm15 =	vcmask $0x3B38;
	s26 =	smax.u32 s2, $0x1;
	[dreg:$0xd] =	wrdreg s0;
	v21 =	vsel vm14, $0x311, v19;
	v22 =	vsel vm14, $0x711, v20  }
0x17: {  	s8 =	sshll.u32 s1, $0x10;
	[dreg:$0xe] =	wrdreg s26;
	s26 =	simm.s32 $0xF00;
	v19 =	vor.u32 $0x8, v17;
	v20 =	vsel vm15, $0x390, v21;
	v21 =	vsel vm15, $0x790, v22  }
.LBB2_1:
0x18: {  	s0 =	rddreg [dreg:$0x7]  }
0x19: {  	[tilespmem:s7], [sflag:$0x1] =	stream.linear.gather [hbm4b:s0+s7], $0x200, $0x38;
	[tilespmem:$0x11900] =	vst v63  }
0x1a: {  	s6 =	rddreg [dreg:$0x8];
	s1 =	simm.s32 $0x200  }
0x1b: {  	[tilespmem:s1], [sflag:$0x1] =	stream.linear.gather [hbm4b:s6+s7], $0x200, $0x38;
	[tilespmem:$0x11900] =	vst v63  }
0x1c: {  	s9 =	rddreg [dreg:$0x9];
	s10 =	simm.s32 $0x400  }
0x1d: {  	[tilespmem:s10], [sflag:$0x1] =	stream.linear.gather [hbm4b:s9+s7], $0x200, $0x38;
	[tilespmem:$0x11900] =	vst v63  }
0x1e: {  	s11 =	rddreg [dreg:$0xa];
	s12 =	simm.s32 $0x600  }
0x1f: {  	[tilespmem:s12], [sflag:$0x1] =	stream.linear.gather [hbm4b:s11+s7], $0x200, $0x38;
	[tilespmem:$0x11900] =	vst v63  }
0x20: {  	s13 =	rddreg [dreg:$0xb];
	s14 =	simm.s32 $0x800  }
0x21: {  	[tilespmem:s14], [sflag:$0x1] =	stream.linear.gather [hbm4b:s13+s7], $0x200, $0x38;
	[tilespmem:$0x11900] =	vst v63  }
0x22: {  	s15 =	rddreg [dreg:$0xc];
	s16 =	simm.s32 $0xA00  }
0x23: {  	[tilespmem:s16], [sflag:$0x1] =	stream.linear.gather [hbm4b:s15+s7], $0x200, $0x38;
	[tilespmem:$0x11900] =	vst v63  }
0x24: {  	s17 =	rddreg [dreg:$0xd];
	s18 =	simm.s32 $0xC00  }
0x25: {  	[tilespmem:s18], [sflag:$0x1] =	stream.linear.gather [hbm4b:s17+s7], $0x200, $0x38;
	[tilespmem:$0x11900] =	vst v63  }
0x26: {  	s19 =	rddreg [dreg:$0x1];
	s20 =	simm.s32 $0xE00  }
0x27: {  	[tilespmem:s20], [sflag:$0x1] =	stream.linear.gather [hbm4b:s19+s7], $0x4D, $0x38;
	[tilespmem:$0x11900] =	vst v63  }
0x28: {  	s21 =	rddreg [dreg:$0x2];
	s22 =	simm.s32 $0xE80  }
0x29: {  	[tilespmem:s22], [sflag:$0x1] =	stream.linear.gather [hbm4b:s21+s7], $0x7, $0x38;
	[tilespmem:$0x11900] =	vst v63  }
0x2a: {  	s23 =	rddreg [dreg:$0x3];
	s24 =	simm.s32 $0xE90  }
0x2b: {  	[tilespmem:s24], [sflag:$0x1] =	stream.linear.gather [hbm4b:s23+s7], $0x7, $0x38;
	[tilespmem:$0x11900] =	vst v63  }
0x2c: {  	s25 =	rddreg [dreg:$0x4]  }
0x2d: {  	[tilespmem:s26], [sflag:$0x1] =	stream.linear.gather [hbm4b:s25+s7], $0x4EC, $0x38;
	[tilespmem:$0x11900] =	vst v63  }
0x2e: {  	_ =	swait.ge [sflag:s28], $0x200  }
0x2f: {  	[sflag:s28] =	ssyncset.done $0x0  }
0x30: {  	[sflag:s28] =	ssyncadd.s32 $0xFFFFFE00  }
0x31: {  	_ =	swait.ge [sflag:s28], $0x200  }
0x32: {  	[sflag:s28] =	ssyncset.done $0x0  }
0x33: {  	[sflag:s28] =	ssyncadd.s32 $0xFFFFFE00  }
0x34: {  	_ =	swait.ge [sflag:s28], $0x200  }
0x35: {  	[sflag:s28] =	ssyncset.done $0x0  }
0x36: {  	[sflag:s28] =	ssyncadd.s32 $0xFFFFFE00  }
0x37: {  	_ =	swait.ge [sflag:s28], $0x200  }
0x38: {  	[sflag:s28] =	ssyncset.done $0x0  }
0x39: {  	[sflag:s28] =	ssyncadd.s32 $0xFFFFFE00  }
0x3a: {  	_ =	swait.ge [sflag:s28], $0x200  }
0x3b: {  	[sflag:s28] =	ssyncset.done $0x0  }
0x3c: {  	[sflag:s28] =	ssyncadd.s32 $0xFFFFFE00  }
0x3d: {  	_ =	swait.ge [sflag:s28], $0x200  }
0x3e: {  	[sflag:s28] =	ssyncset.done $0x0  }
0x3f: {  	[sflag:s28] =	ssyncadd.s32 $0xFFFFFE00  }
0x40: {  	_ =	swait.ge [sflag:s28], $0x200  }
0x41: {  	[sflag:s28] =	ssyncset.done $0x0  }
0x42: {  	[sflag:s28] =	ssyncadd.s32 $0xFFFFFE00  }
0x43: {  	_ =	swait.ge [sflag:s28], $0x4D  }
0x44: {  	[sflag:s28] =	ssyncset.done $0x0  }
0x45: {  	[sflag:s28] =	ssyncadd.s32 $0xFFFFFFB3  }
0x46: {  	_ =	swait.ge [sflag:s28], $0x7  }
0x47: {  	[sflag:s28] =	ssyncset.done $0x0  }
0x48: {  	[sflag:s28] =	ssyncadd.s32 $0xFFFFFFF9  }
0x49: {  	_ =	swait.ge [sflag:s28], $0x7  }
0x4a: {  	[sflag:s28] =	ssyncset.done $0x0  }
0x4b: {  	[sflag:s28] =	ssyncadd.s32 $0xFFFFFFF9  }
0x4c: {  	_ =	swait.ge [sflag:s28], $0x4EC  }
0x4d: {  	[sflag:s28] =	ssyncset.done $0x0  }
0x4e: {  	[sflag:s28] =	ssyncadd.s32 $0xFFFFFB14  }
0x4f: {  	v24 =	vld [tilespmem:$0xE00];
	_ =	sdelay $0x4  }
0x50: {  	v22 =	vperm.xlane v24, v0  }
0x51: {  	v23 =	vperm.xlane v24, v1  }
0x52: {  	v25 =	vperm.xlane v24, v2;
	[tilespmem:$0x1400] =	vst v22  }
0x53: {  	v26 =	vperm.xlane v24, v3;
	[tilespmem:$0x1410] =	vst v23  }
0x54: {  	v59 =	vperm.xlane v24, v4;
	[tilespmem:$0x1420] =	vst v25  }
0x55: {  	v60 =	vperm.xlane v24, v5;
	[tilespmem:$0x1430] =	vst v26  }
0x56: {  	v61 =	vperm.xlane v24, v6;
	[tilespmem:$0x1440] =	vst v59  }
0x57: {  	v62 =	vperm.xlane v24, v7;
	[tilespmem:$0x1450] =	vst v60  }
0x58: {  	v27 =	vld [tilespmem:$0xE10];
	v63 =	vperm.xlane v24, v8;
	[tilespmem:$0x1460] =	vst v61  }
0x59: {  	v32 =	vperm.xlane v24, v10;
	[tilespmem:$0x1470] =	vst v62  }
0x5a: {  	v33 =	vperm.xlane v24, v11;
	[tilespmem:$0x1480] =	vst v63  }
0x5b: {  	v34 =	vperm.xlane v24, v12;
	[tilespmem:$0x1490] =	vst v32  }
0x5c: {  	v24 =	vperm.xlane v24, v13;
	[tilespmem:$0x14A0] =	vst v33  }
0x5d: {  	v35 =	vperm.xlane v27, v9;
	[tilespmem:$0x14B0] =	vst v34  }
0x5e: {  	v36 =	vperm.xlane v27, v0;
	[tilespmem:$0x14C0] =	vst v24  }
0x5f: {  	v37 =	vperm.xlane v27, v1;
	[tilespmem:$0x14D0] =	vst v35  }
0x60: {  	v38 =	vperm.xlane v27, v2;
	[tilespmem:$0x14E0] =	vst v36  }
0x61: {  	v39 =	vperm.xlane v27, v3;
	[tilespmem:$0x14F0] =	vst v37  }
0x62: {  	v42 =	vperm.xlane v27, v6;
	[tilespmem:$0x1500] =	vst v38  }
0x63: {  	v43 =	vperm.xlane v27, v7;
	[tilespmem:$0x1510] =	vst v39  }
0x64: {  	v44 =	vperm.xlane v27, v8;
	[tilespmem:$0x1520] =	vst v42  }
0x65: {  	v45 =	vperm.xlane v27, v14;
	[tilespmem:$0x1530] =	vst v43  }
0x66: {  	v48 =	vld [tilespmem:$0xE20];
	v46 =	vperm.xlane v27, v15;
	[tilespmem:$0x1540] =	vst v44  }
0x67: {  	v47 =	vperm.xlane v27, v10;
	[tilespmem:$0x1550] =	vst v45  }
0x68: {  	v49 =	vperm.xlane v27, v11;
	[tilespmem:$0x1560] =	vst v46  }
0x69: {  	v50 =	vperm.xlane v27, v12;
	[tilespmem:$0x1570] =	vst v47  }
0x6a: {  	v51 =	vperm.xlane v27, v13;
	[tilespmem:$0x1580] =	vst v49  }
0x6b: {  	v54 =	vperm.xlane v48, v1;
	[tilespmem:$0x1590] =	vst v50  }
0x6c: {  	v55 =	vperm.xlane v48, v2;
	[tilespmem:$0x15A0] =	vst v51  }
0x6d: {  	v56 =	vperm.xlane v48, v3;
	[tilespmem:$0x15B0] =	vst v54  }
0x6e: {  	v57 =	vperm.xlane v48, v4;
	[tilespmem:$0x15C0] =	vst v55  }
0x6f: {  	v58 =	vperm.xlane v48, v5;
	[tilespmem:$0x15D0] =	vst v56  }
0x70: {  	[tilespmem:$0x15E0] =	vst v57;
	v59 =	vperm.xlane v48, v6  }
0x71: {  	[tilespmem:$0x15F0] =	vst v58;
	v60 =	vperm.xlane v48, v7  }
0x72: {  	v22 =	vld [tilespmem:$0xE80];
	v61 =	vperm.xlane v48, v8;
	[tilespmem:$0x1600] =	vst v59  }
0x73: {  	v23 =	vld [tilespmem:$0xE90];
	v62 =	vperm.xlane v48, v14;
	[tilespmem:$0x1610] =	vst v60  }
0x74: {  	v32 =	vperm.xlane v48, v11;
	[tilespmem:$0x1620] =	vst v61  }
0x75: {  	v33 =	vperm.xlane v48, v12;
	[tilespmem:$0x1630] =	vst v62  }
0x76: {  	v34 =	vperm.xlane v48, v13;
	[tilespmem:$0x1640] =	vst v32  }
0x77: {  	[tilespmem:$0x1650] =	vst v33;
	v30 =	vperm.xlane v22, v9  }
0x78: {  	v63 =	vld [tilespmem:$0xE30];
	[tilespmem:$0x1660] =	vst v34;
	v31 =	vperm.xlane v23, v9  }
0x79: {  	v40 =	vperm.xlane v22, v0;
	[tilespmem:$0x17F0] =	vst v30  }
0x7a: {  	v41 =	vperm.xlane v23, v0;
	[tilespmem:$0x1860] =	vst v31  }
0x7b: {  	v52 =	vperm.xlane v22, v1;
	[tilespmem:$0x1800] =	vst v40  }
0x7c: {  	v53 =	vperm.xlane v23, v1;
	[tilespmem:$0x1870] =	vst v41  }
0x7d: {  	v35 =	vperm.xlane v63, v9;
	[tilespmem:$0x1810] =	vst v52  }
0x7e: {  	v36 =	vperm.xlane v63, v0;
	[tilespmem:$0x1880] =	vst v53  }
0x7f: {  	v37 =	vperm.xlane v63, v1;
	[tilespmem:$0x1670] =	vst v35  }
0x80: {  	v38 =	vperm.xlane v63, v2;
	[tilespmem:$0x1680] =	vst v36  }
0x81: {  	v39 =	vperm.xlane v63, v3;
	[tilespmem:$0x1690] =	vst v37  }
0x82: {  	v42 =	vperm.xlane v23, v3;
	[tilespmem:$0x16A0] =	vst v38  }
0x83: {  	v43 =	vperm.xlane v63, v7;
	[tilespmem:$0x16B0] =	vst v39  }
0x84: {  	v44 =	vperm.xlane v63, v8;
	[tilespmem:$0x18A0] =	vst v42  }
0x85: {  	v45 =	vperm.xlane v63, v14;
	[tilespmem:$0x16D0] =	vst v43  }
0x86: {  	v47 =	vperm.xlane v63, v15;
	[tilespmem:$0x16E0] =	vst v44  }
0x87: {  	v46 =	vld [tilespmem:$0xE40];
	v48 =	vperm.xlane v63, v10;
	[tilespmem:$0x16F0] =	vst v45  }
0x88: {  	v49 =	vperm.xlane v63, v11;
	[tilespmem:$0x1700] =	vst v47  }
0x89: {  	v50 =	vperm.xlane v63, v12;
	[tilespmem:$0x1710] =	vst v48  }
0x8a: {  	v51 =	vperm.xlane v63, v13;
	[tilespmem:$0x1720] =	vst v49  }
0x8b: {  	v54 =	vperm.xlane v23, v4;
	[tilespmem:$0x1730] =	vst v50  }
0x8c: {  	v55 =	vperm.xlane v46, v2;
	[tilespmem:$0x1740] =	vst v51  }
0x8d: {  	v56 =	vperm.xlane v46, v3;
	[tilespmem:$0x18B0] =	vst v54  }
0x8e: {  	v57 =	vperm.xlane v46, v4;
	[tilespmem:$0x1760] =	vst v55  }
0x8f: {  	v58 =	vperm.xlane v46, v5;
	[tilespmem:$0x1770] =	vst v56  }
0x90: {  	v59 =	vperm.xlane v46, v6;
	[tilespmem:$0x1780] =	vst v57  }
0x91: {  	v60 =	vperm.xlane v46, v7;
	[tilespmem:$0x1790] =	vst v58  }
0x92: {  	v61 =	vperm.xlane v46, v8;
	[tilespmem:$0x17A0] =	vst v59  }
0x93: {  	v62 =	vperm.xlane v46, v14;
	[tilespmem:$0x17B0] =	vst v60  }
0x94: {  	v30 =	vperm.xlane v22, v2;
	[tilespmem:$0x17C0] =	vst v61  }
0x95: {  	v31 =	vperm.xlane v23, v2;
	[tilespmem:$0x17D0] =	vst v62  }
0x96: {  	v40 =	vperm.xlane v63, v4;
	[tilespmem:$0x1820] =	vst v30  }
0x97: {  	v41 =	vperm.xlane v22, v3;
	[tilespmem:$0x1890] =	vst v31  }
0x98: {  	v52 =	vperm.xlane v46, v9;
	[tilespmem:$0x16C0] =	vst v40  }
0x99: {  	v53 =	vperm.xlane v22, v4;
	[tilespmem:$0x1830] =	vst v41  }
0x9a: {  	v63 =	vperm.xlane v46, v15;
	[tilespmem:$0x1750] =	vst v52  }
0x9b: {  	v22 =	vperm.xlane v22, v5;
	[tilespmem:$0x1840] =	vst v53  }
0x9c: {  	v23 =	vperm.xlane v23, v5;
	[tilespmem:$0x17E0] =	vst v63  }
0x9d: {  	s4 =	simm.s32 $0x0;
	[tilespmem:$0x1850] =	vst v22  }
0x9e: {  	s0 =	simm.s32 $0x0;
	s6 =	simm.s32 $0x0;
	s1 =	simm.s32 $0x0;
	[tilespmem:$0x18C0] =	vst v23  }
.LBB2_2:
0x9f: {  	s2 =	simm.s32 $0x17F0  }
0xa0: {  	v22 =	vld [tilespmem:s2+$0x70];
	_ =	sdelay $0x4  }
0xa1: {  	v22 =	vadd.f32 $9.999999930e-09, v22  }
0xa2: {  	s3 =	sshll.u32 s6, $0x2;
	s10 =	sand.u32 $0x7, s4  }
0xa3: {  	s3 =	sand.u32 $0xFFFFFE00, s3;
	s10 =	sshll.u32 s10, $0x6;
	(erf) = vrcp.f32 v22  }
0xa4: {  	s3 =	sor.u32 s10, s3  }
0xa5: {  	v23 =	vld [tilespmem:s2+$0x0];
	s20 =	sshrl.u32 s3, $0x2  }
0xa6: {  	v22 =	vld [tilespmem:s20+$0x0];
	_ =	sdelay $0x1  }
0xa7: {  	s17 =	simm.s32 $0x1440  }
0xa8: {  	v24 =	vld [tilespmem:s17+$0xFFFFFFD0]  }
0xa9: {  	v25 =	vld [tilespmem:s17+$0xFFFFFFC0]  }
0xaa: {  	v26 =	vld [tilespmem:s17+$0xFFFFFFE0];
	v22 =	vsub.f32 v22, v23  }
0xab: {  	v23 =	vld [tilespmem:s17+$0xFFFFFFF0];
	v27 =	vpop (erf)  }
0xac: {  	v28 =	vld [tilespmem:s17+$0x0];
	v22 =	vmul.f32 v27, v22  }
0xad: {  	s2 =	simm.s32 $0x0;
	v27 =	vld [tilespmem:s17+$0x10]  }
0xae: {  	v29 =	vld [tilespmem:s17+$0x20];
	s18 =	sand.u32 $0x3FFFFF80, s2;
	vm0 =	vgt.f32 v22, v25;
	vm1 =	vgt.f32 v22, v24  }
0xaf: {  	s10 =	sadd.s32 $0x1480, s18;
	vm2 =	vgt.f32 v22, v26;
	v24 =	vld [tilespmem:s17+$0x30];
	v25 =	vsel vm0, $0x1, v9;
	v26 =	vsel vm1, $0x1, v9  }
0xb0: {  	vm10 =	vgt.f32 v22, v23;
	v23 =	vld [tilespmem:s10+$0x0];
	v30 =	vsel vm2, $0x1, v9;
	v25 =	vadd.s32 v26, v25  }
0xb1: {  	vm11 =	vgt.f32 v22, v28;
	v26 =	vsel vm10, $0x1, v9;
	v25 =	vadd.s32 v30, v25  }
0xb2: {  	vm12 =	vgt.f32 v22, v27;
	v27 =	vsel vm11, $0x1, v9;
	v25 =	vadd.s32 v26, v25  }
0xb3: {  	vm13 =	vgt.f32 v22, v29;
	v26 =	vsel vm12, $0x1, v9;
	v25 =	vadd.s32 v27, v25  }
0xb4: {  	vm14 =	vgt.f32 v22, v24;
	v24 =	vsel vm13, $0x1, v9;
	v25 =	vadd.s32 v26, v25  }
0xb5: {  	vm15 =	vgt.f32 v22, v23;
	v22 =	vsel vm14, $0x1, v9;
	v23 =	vadd.s32 v24, v25  }
0xb6: {  	v24 =	vsel vm15, $0x1, v9;
	v22 =	vadd.s32 v22, v23  }
0xb7: {  	v22 =	vadd.s32 v24, v22  }
0xb8: {  	v22 =	vmul.u32 $0x12, v22;
	_ =	sdelay $0x1  }
0xb9: {  	v23 =	vadd.s32 s2, v22  }
0xba: {  	v22 =	vperm.xlane v23, v9  }
0xbb: {  	v24 =	vperm.xlane v23, v2  }
0xbc: {  	v25 =	vperm.xlane v23, v0;
	v22 =	vadd.s32 v16, v22  }
0xbd: {  	v26 =	vperm.xlane v23, v3;
	v24 =	vadd.s32 v16, v24  }
0xbe: {  	v27 =	vperm.xlane v23, v4;
	v25 =	vadd.s32 v16, v25  }
0xbf: {  	v28 =	vperm.xlane v23, v1;
	v26 =	vadd.s32 v16, v26  }
0xc0: {  	v29 =	vperm.xlane v23, v8;
	v27 =	vadd.s32 v16, v27  }
0xc1: {  	v30 =	vperm.xlane v23, v6;
	v28 =	vadd.s32 v16, v28;
	v35 =	vld.idx.msk [tilespmem:v22+s26+$0x0], $0xffff  }
0xc2: {  	v37 =	vld.idx.msk [tilespmem:v24+s26+$0x0], $0xffff;
	v22 =	vadd.s32 v16, v29;
	v24 =	vperm.xlane v23, v11  }
0xc3: {  	v29 =	vadd.s32 v16, v30;
	v30 =	vperm.xlane v23, v14;
	v36 =	vld.idx.msk [tilespmem:v25+s26+$0x0], $0xffff  }
0xc4: {  	v38 =	vld.idx.msk [tilespmem:v26+s26+$0x0], $0xffff;
	v25 =	vperm.xlane v23, v17;
	v24 =	vadd.s32 v16, v24  }
0xc5: {  	v31 =	vperm.xlane v23, v5;
	v26 =	vld.idx.msk [tilespmem:v27+s26+$0x0], $0xffff;
	v30 =	vadd.s32 v16, v30  }
0xc6: {  	v33 =	vperm.xlane v23, v13;
	v27 =	vperm.xlane v23, v19;
	v39 =	vld.idx.msk [tilespmem:v28+s26+$0x0], $0xffff;
	v32 =	vadd.s32 v18, v25  }
0xc7: {  	v31 =	vadd.s32 v16, v31;
	v25 =	vld.idx.msk [tilespmem:v22+s26+$0x0], $0xffff  }
0xc8: {  	v33 =	vadd.s32 v16, v33;
	v34 =	vadd.s32 v18, v27;
	v27 =	vperm.xlane v23, v12;
	v28 =	vld.idx.msk [tilespmem:v29+s26+$0x0], $0xffff  }
0xc9: {  	v29 =	vperm.xlane v23, v10;
	v22 =	vld.idx.msk [tilespmem:v24+s26+$0x0], $0xffff  }
0xca: {  	v40 =	vadd.s32 v16, v27;
	v24 =	vperm.xlane v23, v7;
	v27 =	vld.idx.msk [tilespmem:v30+s26+$0x0], $0xffff  }
0xcb: {  	v30 =	vperm.xlane v23, v15;
	v41 =	vadd.s32 v16, v29;
	v23 =	vld.idx.msk [tilespmem:v32+s26+$0x0], $0xffff  }
0xcc: {  	s24 =	sadd.s32 $0x0, s0;
	v32 =	vld.idx.msk [tilespmem:v31+s26+$0x0], $0xffff;
	v42 =	vadd.s32 v16, v24  }
0xcd: {  	v44 =	vadd.s32 s24, v16;
	s19 =	sadd.s32 $0x80, s24;
	v29 =	vld.idx.msk [tilespmem:v33+s26+$0x0], $0xffff;
	v43 =	vadd.s32 v16, v30  }
0xce: {  	s21 =	sadd.s32 $0x100, s24;
	v45 =	vadd.s32 s19, v16;
	v24 =	vld.idx.msk [tilespmem:v34+s26+$0x0], $0xffff  }
0xcf: {  	s22 =	sadd.s32 $0x180, s24;
	v62 =	vadd.s32 s21, v16;
	v30 =	vld.idx.msk [tilespmem:v40+s26+$0x0], $0xffff  }
0xd0: {  	s23 =	sadd.s32 $0x200, s24;
	v46 =	vadd.s32 s22, v16;
	v31 =	vld.idx.msk [tilespmem:v41+s26+$0x0], $0xffff  }
0xd1: {  	s12 =	sadd.s32 $0x400, s24;
	s13 =	sadd.s32 $0x480, s24;
	v63 =	vadd.s32 s23, v16;
	s19 =	sadd.s32 $0x280, s24;
	v34 =	vld.idx.msk [tilespmem:v42+s26+$0x0], $0xffff  }
0xd2: {  	s25 =	sadd.s32 $0x580, s24;
	s14 =	sadd.s32 $0x500, s24;
	s21 =	sadd.s32 $0x300, s24;
	v41 =	vadd.s32 s19, v16;
	v33 =	vld.idx.msk [tilespmem:v43+s26+$0x0], $0xffff;
	[tilespmem:v44+s29+$0x0] =	vst.idx.msk $0xffff, v35  }
0xd3: {  	s11 =	sadd.s32 $0x680, s24;
	s22 =	sadd.s32 $0x380, s24;
	s23 =	sadd.s32 $0x600, s24;
	v40 =	vadd.s32 s21, v16;
	[tilespmem:v45+s29+$0x0] =	vst.idx.msk $0xffff, v36  }
0xd4: {  	s3 =	sshll.u32 s1, $0xB;
	s18 =	simm.s32 $0x12;
	s20 =	sadd.s32 $0x200, s20;
	v36 =	vadd.s32 s22, v16;
	[tilespmem:v62+s29+$0x0] =	vst.idx.msk $0xffff, v39  }
0xd5: {  	s17 =	simm.s32 $0x1480;
	s10 =	sadd.s32 $0x700, s24;
	s21 =	simm.s32 $0x14D0;
	v39 =	vadd.s32 s12, v16;
	[tilespmem:v46+s29+$0x0] =	vst.idx.msk $0xffff, v37  }
0xd6: {  	s19 =	simm.s32 $0x1800;
	v35 =	vadd.s32 s25, v16;
	s25 =	sadd.s32 $0x780, s24;
	s22 =	simm.s32 $0x0;
	v37 =	vadd.s32 s13, v16;
	[tilespmem:v63+s29+$0x0] =	vst.idx.msk $0xffff, v38;
	v38 =	vadd.s32 s14, v16  }
.LBB2_3:
0xd7: {  	[tilespmem:v41+s29+$0x0] =	vst.idx.msk $0xffff, v26;
	s2 =	sadd.s32 $0xB4, s2;
	s22 =	sadd.s32 $0x90, s22;
	s17 =	sadd.s32 $0x10, s17  }
0xd8: {  	p0 =	sne.s32 s18, $0x6C;
	v26 =	vadd.s32 s23, v16;
	s23 =	smov.u32 s18;
	s18 =	sadd.s32 $0x12, s18;
	[tilespmem:v40+s29+$0x0] =	vst.idx.msk $0xffff, v32  }
0xd9: {  	[tilespmem:v36+s29+$0x0] =	vst.idx.msk $0xffff, v28;
	v28 =	vadd.s32 s11, v16  }
0xda: {  	v32 =	vadd.s32 s10, v16;
	[tilespmem:v39+s29+$0x0] =	vst.idx.msk $0xffff, v34  }
0xdb: {  	[tilespmem:v37+s29+$0x0] =	vst.idx.msk $0xffff, v25;
	v25 =	vadd.s32 s25, v16  }
0xdc: {  	[tilespmem:v38+s29+$0x0] =	vst.idx.msk $0xffff, v27;
	v27 =	vadd.s32 s24, v20  }
0xdd: {  	[tilespmem:v35+s29+$0x0] =	vst.idx.msk $0xffff, v33;
	v33 =	vadd.s32 s24, v21  }
0xde: {  	[tilespmem:v26+s29+$0x0] =	vst.idx.msk $0xffff, v31  }
0xdf: {  	[tilespmem:v28+s29+$0x0] =	vst.idx.msk $0xffff, v22  }
0xe0: {  	[tilespmem:v32+s29+$0x0] =	vst.idx.msk $0xffff, v30  }
0xe1: {  	[tilespmem:v25+s29+$0x0] =	vst.idx.msk $0xffff, v29  }
0xe2: {  	[tilespmem:v27+s29+$0x0] =	vst.idx.msk $0xffff, v23  }
0xe3: {  	[tilespmem:v33+s29+$0x0] =	vst.idx.msk $0xffff, v24  }
0xe4: {  	v22 =	vld [tilespmem:s19+$0x70];
	_ =	sdelay $0x4  }
0xe5: {  	v22 =	vadd.f32 $9.999999930e-09, v22;
	_ =	sdelay $0x1  }
0xe6: {  	(erf) = vrcp.f32 v22;
	_ =	sdelay $0x1  }
0xe7: {  	v22 =	vld [tilespmem:s20+$0x0]  }
0xe8: {  	v23 =	vld [tilespmem:s19+$0x0];
	_ =	sdelay $0x1  }
0xe9: {  	v24 =	vld [tilespmem:s21+$0xFFFFFFE0]  }
0xea: {  	v25 =	vld [tilespmem:s21+$0xFFFFFFD0]  }
0xeb: {  	v26 =	vld [tilespmem:s21+$0xFFFFFFC0]  }
0xec: {  	v22 =	vsub.f32 v22, v23;
	v23 =	vld [tilespmem:s21+$0xFFFFFFF0]  }
0xed: {  	v27 =	vld [tilespmem:s21+$0x0];
	v28 =	vpop (erf)  }
0xee: {  	v22 =	vmul.f32 v28, v22;
	v28 =	vld [tilespmem:s21+$0x10]  }
0xef: {  	s10 =	sand.u32 $0x3FFFFF80, s22;
	v29 =	vld [tilespmem:s21+$0x20]  }
0xf0: {  	s10 =	sadd.s32 s10, s17;
	vm0 =	vgt.f32 v22, v26;
	vm1 =	vgt.f32 v22, v25;
	vm2 =	vgt.f32 v22, v24;
	v24 =	vld [tilespmem:s21+$0x30]  }
0xf1: {  	v25 =	vsel vm0, $0x1, v9;
	v26 =	vsel vm1, $0x1, v9;
	vm0 =	vgt.f32 v22, v23;
	v23 =	vld [tilespmem:s10+$0x0]  }
0xf2: {  	v30 =	vsel vm2, $0x1, v9;
	vm1 =	vgt.f32 v22, v27;
	v25 =	vadd.s32 v26, v25  }
0xf3: {  	v26 =	vsel vm0, $0x1, v9;
	vm0 =	vgt.f32 v22, v28;
	v25 =	vadd.s32 v30, v25  }
0xf4: {  	v27 =	vsel vm1, $0x1, v9;
	vm1 =	vgt.f32 v22, v29;
	v25 =	vadd.s32 v26, v25  }
0xf5: {  	v26 =	vsel vm0, $0x1, v9;
	vm0 =	vgt.f32 v22, v24;
	v24 =	vadd.s32 v27, v25  }
0xf6: {  	v25 =	vsel vm1, $0x1, v9;
	vm1 =	vgt.f32 v22, v23;
	v22 =	vadd.s32 v26, v24  }
0xf7: {  	v23 =	vsel vm0, $0x1, v9;
	v22 =	vadd.s32 v25, v22  }
0xf8: {  	v24 =	vsel vm1, $0x1, v9;
	v22 =	vadd.s32 v23, v22  }
0xf9: {  	v22 =	vadd.s32 v24, v22  }
0xfa: {  	v22 =	vmul.u32 $0x12, v22;
	_ =	sdelay $0x1  }
0xfb: {  	v22 =	vadd.s32 s2, v22  }
0xfc: {  	v23 =	vperm.xlane v22, v9;
	v24 =	vperm.xlane v22, v0  }
0xfd: {  	v25 =	vperm.xlane v22, v1;
	v26 =	vperm.xlane v22, v2  }
0xfe: {  	v27 =	vperm.xlane v22, v3;
	v23 =	vadd.s32 v16, v23;
	v24 =	vadd.s32 v16, v24  }
0xff: {  	v28 =	vperm.xlane v22, v4;
	v25 =	vadd.s32 v16, v25;
	v26 =	vadd.s32 v16, v26  }
0x100: {  	v29 =	vperm.xlane v22, v5;
	v30 =	vperm.xlane v22, v6;
	v27 =	vadd.s32 v16, v27  }
0x101: {  	v31 =	vperm.xlane v22, v7;
	v32 =	vperm.xlane v22, v8;
	v28 =	vadd.s32 v16, v28  }
0x102: {  	v33 =	vperm.xlane v22, v14;
	v29 =	vadd.s32 v16, v29;
	v30 =	vadd.s32 v16, v30  }
0x103: {  	v34 =	vadd.s32 v16, v31;
	v31 =	vperm.xlane v22, v10;
	v36 =	vld.idx.msk [tilespmem:v23+s26+$0x0], $0xffff;
	v23 =	vperm.xlane v22, v15  }
0x104: {  	v32 =	vadd.s32 v16, v32;
	v33 =	vadd.s32 v16, v33;
	v37 =	vld.idx.msk [tilespmem:v26+s26+$0x0], $0xffff;
	v26 =	vperm.xlane v22, v11  }
0x105: {  	v31 =	vadd.s32 v16, v31;
	v38 =	vld.idx.msk [tilespmem:v24+s26+$0x0], $0xffff;
	v39 =	vadd.s32 v16, v23;
	v23 =	vperm.xlane v22, v12  }
0x106: {  	v35 =	vperm.xlane v22, v17;
	v42 =	vld.idx.msk [tilespmem:v27+s26+$0x0], $0xffff;
	v24 =	vadd.s32 v16, v26;
	v27 =	vperm.xlane v22, v13  }
0x107: {  	v22 =	vperm.xlane v22, v19;
	v26 =	vld.idx.msk [tilespmem:v28+s26+$0x0], $0xffff;
	v40 =	vadd.s32 v16, v23  }
0x108: {  	v23 =	vadd.s32 v18, v35;
	v43 =	vld.idx.msk [tilespmem:v25+s26+$0x0], $0xffff;
	v41 =	vadd.s32 v16, v27  }
0x109: {  	v25 =	vld.idx.msk [tilespmem:v32+s26+$0x0], $0xffff;
	v32 =	vadd.s32 v18, v22  }
0x10a: {  	v28 =	vld.idx.msk [tilespmem:v30+s26+$0x0], $0xffff  }
0x10b: {  	v22 =	vld.idx.msk [tilespmem:v24+s26+$0x0], $0xffff  }
0x10c: {  	v27 =	vld.idx.msk [tilespmem:v33+s26+$0x0], $0xffff  }
0x10d: {  	v23 =	vld.idx.msk [tilespmem:v23+s26+$0x0], $0xffff  }
0x10e: {  	s24 =	sadd.s32 s23, s0;
	v24 =	vld.idx.msk [tilespmem:v32+s26+$0x0], $0xffff  }
0x10f: {  	v44 =	vadd.s32 s24, v16;
	s11 =	sadd.s32 $0x100, s24;
	s12 =	sadd.s32 $0x180, s24;
	s10 =	sadd.s32 $0x80, s24;
	v32 =	vld.idx.msk [tilespmem:v29+s26+$0x0], $0xffff  }
0x110: {  	s13 =	sadd.s32 $0x280, s24;
	s14 =	sadd.s32 $0x300, s24;
	v45 =	vadd.s32 s10, v16;
	s10 =	sadd.s32 $0x200, s24;
	v29 =	vld.idx.msk [tilespmem:v41+s26+$0x0], $0xffff  }
0x111: {  	s15 =	sadd.s32 $0x380, s24;
	s16 =	sadd.s32 $0x400, s24;
	s9 =	sadd.s32 $0x480, s24;
	v46 =	vadd.s32 s11, v16;
	v30 =	vld.idx.msk [tilespmem:v40+s26+$0x0], $0xffff  }
0x112: {  	s23 =	sadd.s32 $0x600, s24;
	v47 =	vadd.s32 s12, v16;
	s12 =	sadd.s32 $0x500, s24;
	s11 =	sadd.s32 $0x580, s24;
	v31 =	vld.idx.msk [tilespmem:v31+s26+$0x0], $0xffff  }
0x113: {  	s25 =	sadd.s32 $0x780, s24;
	v48 =	vadd.s32 s10, v16;
	s10 =	sadd.s32 $0x700, s24;
	v35 =	vadd.s32 s11, v16;
	s11 =	sadd.s32 $0x680, s24;
	v34 =	vld.idx.msk [tilespmem:v34+s26+$0x0], $0xffff  }
0x114: {  	v41 =	vadd.s32 s13, v16;
	v33 =	vld.idx.msk [tilespmem:v39+s26+$0x0], $0xffff  }
.Ltmp0:
0x115: {  	v40 =	vadd.s32 s14, v16;
	[tilespmem:v44+s29+$0x0] =	vst.idx.msk $0xffff, v36;
	(pc) =	sbr.rel @p0 .LBB2_3-.Ltmp0, $4  }
0x116: {  	v36 =	vadd.s32 s15, v16;
	[tilespmem:v45+s29+$0x0] =	vst.idx.msk $0xffff, v38  }
0x117: {  	v39 =	vadd.s32 s16, v16;
	[tilespmem:v46+s29+$0x0] =	vst.idx.msk $0xffff, v43  }
0x118: {  	[tilespmem:v47+s29+$0x0] =	vst.idx.msk $0xffff, v37;
	v37 =	vadd.s32 s9, v16  }
0x119: {  	s20 =	sadd.s32 $0x200, s20;
	s19 =	sadd.s32 $0x10, s19;
	s21 =	sadd.s32 $0x90, s21;
	v38 =	vadd.s32 s12, v16;
	[tilespmem:v48+s29+$0x0] =	vst.idx.msk $0xffff, v42  }
0x11a: {  	_ =	sdelay $0x3  }
0x11b: {  	[tilespmem:v41+s29+$0x0] =	vst.idx.msk $0xffff, v26  }
0x11c: {  	[tilespmem:v40+s29+$0x0] =	vst.idx.msk $0xffff, v32  }
0x11d: {  	v58 =	vadd.s32 s23, v16;
	[tilespmem:v36+s29+$0x0] =	vst.idx.msk $0xffff, v28  }
0x11e: {  	v59 =	vadd.s32 s11, v16;
	[tilespmem:v39+s29+$0x0] =	vst.idx.msk $0xffff, v34  }
0x11f: {  	v60 =	vadd.s32 s10, v16;
	[tilespmem:v37+s29+$0x0] =	vst.idx.msk $0xffff, v25  }
0x120: {  	v61 =	vadd.s32 s25, v16;
	[tilespmem:v38+s29+$0x0] =	vst.idx.msk $0xffff, v27  }
0x121: {  	v62 =	vadd.s32 s24, v20;
	[tilespmem:v35+s29+$0x0] =	vst.idx.msk $0xffff, v33  }
0x122: {  	v63 =	vadd.s32 s24, v21;
	[tilespmem:v58+s29+$0x0] =	vst.idx.msk $0xffff, v31  }
0x123: {  	[tilespmem:v59+s29+$0x0] =	vst.idx.msk $0xffff, v22  }
0x124: {  	[tilespmem:v60+s29+$0x0] =	vst.idx.msk $0xffff, v30  }
0x125: {  	s2 =	sadd.s32 s8, s3;
	[tilespmem:v61+s29+$0x0] =	vst.idx.msk $0xffff, v29  }
0x126: {  	s2 =	sshrl.u32 s2, $0x3;
	[tilespmem:v62+s29+$0x0] =	vst.idx.msk $0xffff, v23  }
0x127: {  	s25 =	sadd.s32 $0x1900, s3;
	p0 =	seq.s32 s1, $0x0;
	s2 =	sadd.s32 s5, s2;
	[tilespmem:v63+s29+$0x0] =	vst.idx.msk $0xffff, v24  }
0x128: {  	[hbm4b:s2+s7] =	stream.linear.scatter [tilespmem:s25], [sflag:$0x2], $0x800, $0x38;
	[tilespmem:$0x11900] =	vst v63  }
0x129: {  	s2 =	simm.s32 @!p0 $0x2  }
0x12a: {  	_ =	swait.ge @!p0 [sflag:s2], $0x800  }
0x12b: {  	s1 =	sadd.s32 $0x1, s1;
	[sflag:s2] =	ssyncset.done @!p0 $0x0  }
0x12c: {  	[sflag:s2] =	ssyncadd.s32 @!p0 $0xFFFFF800;
	p0 =	sne.s32 s1, $0x20  }
.Ltmp1:
0x12d: {  	_ = 	snop;
	(pc) =	sbr.rel @p0 .LBB2_2-.Ltmp1, $2  }
0x12e: {  	_ =	sdelay $0x2  }
0x12f: {  	s0 =	sadd.s32 $0x800, s0;
	s6 =	sadd.s32 $0x10, s6;
	s4 =	sadd.s32 $0x1, s4  }
0x130: {  	_ =	swait.ge [sflag:s30], $0x800  }
0x131: {  	s31 =	sadd.s32 $0x1, s31;
	s0 =	rddreg [dreg:$0xe]  }
0x132: {  	p0 =	sne.s32 s31, s0  }
.Ltmp2:
0x133: {  	_ = 	snop;
	(pc) =	sbr.rel @p0 .LBB2_1-.Ltmp2, $3  }
0x134: {  	_ =	sdelay $0x1  }
0x135: {  	[sflag:s30] =	ssyncset.done $0x0  }
0x136: {  	[sflag:s30] =	ssyncadd.s32 $0xFFFFF800  }
0x137: {  	_ =	sfence.sel $0x180000  }
0x138: {  	[bflag:$0x0] =	sbarrier.arrive $0xFFFF  }
0x139: {  	_ =	strace $0x90000047  }
0x13a: {  	s0 =	stileid.u32;
	[bflag:$0x2] =	sbarrier.arrive $0xFFFF  }
0x13b: {  	p0 =	sne.s32 s0, $0x0;
	s0 =	rddreg [dreg:$0x6]  }
0x13c: {  	s0 =	sadd.s32 @!p0 $0x100000, s0  }
0x13d: {  	[sflag:s0] =	ssyncadd.tile.s32 @!p0 $0x1;
	_ =	shalt  }
.Lfunc_end2:
_tile_overlayer_lowered:
.L_overlay_start_2:
0x13e: {  	(tag) =	ssettag $0x2  }
0x13f: {  	s0 =	rddreg [dreg:$0x0];
	s2 =	stileid.u32  }
0x140: {  	s1 =	rddreg [dreg:$0x1];
	p0 =	sne.s32 s2, $0x0  }
0x141: {  	s3 =	rddreg [dreg:$0x2];
	[bflag:$0x3] =	sbarrier.arrive $0xFFFF;
	s2 =	simm.s32 @!p0 $0x1C03  }
0x142: {  	[timem:s3], [sflag:s2] =	dma.local @!p0 [hbm:s0], s1  }
0x143: {  	s0 =	simm.s32 @!p0 $0x3  }
0x144: {  	_ =	swait.ge @!p0 [sflag:s0], s1  }
0x145: {  	s1 =	ssub.s32 @!p0 $0x0, s1;
	[sflag:s0] =	ssyncset.done @!p0 $0x0  }
0x146: {  	[sflag:s0] =	ssyncadd.s32 @!p0 s1  }
0x147: {  	[bflag:$0x3] =	sbarrier.arrive $0xFFFF  }
0x148: {  	_ =	shalt  }

</sc_bundles>
